<compile_context>
chip_gen: v7x
topology: tpu7x:2x2x1
jax: 0.10.2.dev20260603
libtpu: 0.0.44.dev20260713+nightly
codegen_flags: <defaults>
</compile_context>

<pallas_src>
import functools

import jax
import jax.numpy as jnp
from jax import lax
from jax.experimental import pallas as pl
from jax.experimental.pallas import tpu as pltpu
from jax.experimental.pallas import tpu_sc as plsc

N_TASKS = 10
FILTER_NUM = 128
NHID = 2048
BATCH = 4096

NC = 2
NS = 16
L = 16
NW = NC * NS
B_PER_W = BATCH // NW

TC_BLOCK = 256


def _sigmoid_block(tstage, sv, rows, width):
    def body(r, _):
        for j in range(width // L):
            x = tstage[r, pl.ds(j * L, L)]
            z = sv * x
            ez = jnp.exp(-jnp.abs(z))
            d = 1.0 / (1.0 + ez)
            tstage[r, pl.ds(j * L, L)] = jnp.where(z >= 0, d, ez * d)
        return 0
    lax.fori_loop(0, rows, body, 0)


def _sc_kernel(t_ref, s_ref, ec1,
               oc1,
               svec_v, idx_v, tc1, sem):
    cid = lax.axis_index("c")
    sid = lax.axis_index("s")

    pltpu.sync_copy(s_ref, svec_v)
    sv = svec_v[...]

    pltpu.sync_copy(ec1, tc1)
    _sigmoid_block(tc1, sv, N_TASKS, FILTER_NUM)

    wid = sid * NC + cid
    base = wid * B_PER_W
    pltpu.sync_copy(t_ref.at[pl.ds(base, B_PER_W)], idx_v)

    pairs = ((tc1, oc1),)

    def chunk_body(c, _):
        v = idx_v[pl.ds(c * L, L)]
        for j in range(L):
            r = v[j]
            i = c * L + j
            for tbl, out in pairs:
                pltpu.async_copy(tbl.at[r], out.at[base + i], sem)
        return 0
    lax.fori_loop(0, B_PER_W // L, chunk_body, 0)

    cp = pltpu.make_async_copy(tc1.at[0], oc1.at[base], sem)

    def drain_body(i, _):
        cp.wait()
        return 0
    lax.fori_loop(0, len(pairs) * B_PER_W, drain_body, 0)


def _tc_kernel(s_ref, t_ref, tblc2_ref, tblc3_ref, tbl1_ref, tbl2_ref, tbl3_ref,
               outc2_ref, outc3_ref, out1_ref, out2_ref, out3_ref):
    i = pl.program_id(0)
    s = s_ref[0]
    tb = t_ref[pl.ds(i * TC_BLOCK, TC_BLOCK)]
    onehot = (tb[:, None] == lax.broadcasted_iota(jnp.int32, (TC_BLOCK, N_TASKS), 1)
              ).astype(jnp.float32)
    for tbl_ref, out_ref in ((tblc2_ref, outc2_ref), (tblc3_ref, outc3_ref),
                             (tbl1_ref, out1_ref), (tbl2_ref, out2_ref),
                             (tbl3_ref, out3_ref)):
        sig = jax.nn.sigmoid(s * tbl_ref[...])
        out_ref[...] = jnp.dot(onehot, sig, preferred_element_type=jnp.float32)


@jax.jit
def _run(t, svec, ec1, ec2, ec3, efc1, efc2, efc3):
    f32 = jnp.float32
    sc_call = functools.partial(
        pl.kernel,
        out_type=[
            jax.ShapeDtypeStruct((BATCH, FILTER_NUM), f32),
        ],
        mesh=plsc.VectorSubcoreMesh(core_axis_name="c", subcore_axis_name="s"),
        scratch_types=[
            pltpu.VMEM((L,), f32),
            pltpu.VMEM((B_PER_W,), jnp.int32),
            pltpu.VMEM((N_TASKS, FILTER_NUM), f32),
            pltpu.SemaphoreType.DMA,
        ],
    )(_sc_kernel)
    oc1, = sc_call(t, svec, ec1)

    oc2, oc3, of1, of2, of3 = pl.pallas_call(
        _tc_kernel,
        grid=(BATCH // TC_BLOCK,),
        in_specs=[
            pl.BlockSpec(memory_space=pltpu.SMEM),
            pl.BlockSpec(memory_space=pltpu.VMEM),
            pl.BlockSpec(memory_space=pltpu.VMEM),
            pl.BlockSpec(memory_space=pltpu.VMEM),
            pl.BlockSpec(memory_space=pltpu.VMEM),
            pl.BlockSpec(memory_space=pltpu.VMEM),
            pl.BlockSpec(memory_space=pltpu.VMEM),
        ],
        out_specs=[
            pl.BlockSpec((TC_BLOCK, FILTER_NUM), lambda i: (i, 0)),
            pl.BlockSpec((TC_BLOCK, FILTER_NUM), lambda i: (i, 0)),
            pl.BlockSpec((TC_BLOCK, NHID), lambda i: (i, 0)),
            pl.BlockSpec((TC_BLOCK, NHID), lambda i: (i, 0)),
            pl.BlockSpec((TC_BLOCK, NHID), lambda i: (i, 0)),
        ],
        out_shape=[
            jax.ShapeDtypeStruct((BATCH, FILTER_NUM), f32),
            jax.ShapeDtypeStruct((BATCH, FILTER_NUM), f32),
            jax.ShapeDtypeStruct((BATCH, NHID), f32),
            jax.ShapeDtypeStruct((BATCH, NHID), f32),
            jax.ShapeDtypeStruct((BATCH, NHID), f32),
        ],
    )(svec[:1], t, ec2, ec3, efc1, efc2, efc3)

    return (oc1, oc2, oc3, of1, of2, of3)


def kernel(t, s, ec1, ec2, ec3, efc1, efc2, efc3):
    t32 = t.astype(jnp.int32)
    svec = jnp.full((L,), s, dtype=jnp.float32)
    return _run(t32, svec, ec1, ec2, ec3, efc1, efc2, efc3)

# --- scband reference (transcript-rebuilt; emitter-appended) ---
"""Pipeline reference for scband-acessibility-49074296324187 (READ-ONLY COPY).

The authoritative reference and input builder live on the scoring server;
editing this copy changes nothing except your own understanding.
"""

import jax, jax.numpy as jnp
import numpy as np

N_TASKS = 10
FILTER_NUM = 128
NHID = 2048
BATCH = 4096


def setup_inputs(seed: int = 0) -> dict:
    key = jax.random.key(seed)
    ks = jax.random.split(key, 8)
    t = jax.random.randint(ks[0], (BATCH,), 0, N_TASKS, dtype=jnp.int64 if jax.config.jax_enable_x64 else jnp.int32)
    s = 400
    # learned embedding tables (torch.nn.Embedding default init ~ N(0,1))
    ec1 = jax.random.normal(ks[1], (N_TASKS, FILTER_NUM), dtype=jnp.float32)
    ec2 = jax.random.normal(ks[2], (N_TASKS, FILTER_NUM), dtype=jnp.float32)
    ec3 = jax.random.normal(ks[3], (N_TASKS, FILTER_NUM), dtype=jnp.float32)
    efc1 = jax.random.normal(ks[4], (N_TASKS, NHID), dtype=jnp.float32)
    efc2 = jax.random.normal(ks[5], (N_TASKS, NHID), dtype=jnp.float32)
    efc3 = jax.random.normal(ks[6], (N_TASKS, NHID), dtype=jnp.float32)
    return {"t": t, "s": s, "ec1": ec1, "ec2": ec2, "ec3": ec3,
            "efc1": efc1, "efc2": efc2, "efc3": efc3}


def reference(t, s, ec1, ec2, ec3, efc1, efc2, efc3):
    # HAT-style task-conditioned gate masks: gate = sigmoid(s * Embedding(t))
    gc1 = jax.nn.sigmoid(s * jnp.take(ec1, t, axis=0))
    gc2 = jax.nn.sigmoid(s * jnp.take(ec2, t, axis=0))
    gc3 = jax.nn.sigmoid(s * jnp.take(ec3, t, axis=0))
    gfc1 = jax.nn.sigmoid(s * jnp.take(efc1, t, axis=0))
    gfc2 = jax.nn.sigmoid(s * jnp.take(efc2, t, axis=0))
    gfc3 = jax.nn.sigmoid(s * jnp.take(efc3, t, axis=0))
    return (gc1, gc2, gc3, gfc1, gfc2, gfc3)

if __name__ == "__main__":
    import jax
    _d = setup_inputs()
    print(jax.jit(kernel)(*tuple(_d.values())))

</pallas_src>

<mosaic_0001>
#map = affine_map<(d0, d1) -> (0)>
#map1 = affine_map<(d0, d1) -> (0, 0)>
module attributes {stable_mosaic.version = 14 : i64} {
  func.func @_sc_kernel(%arg0: i32, %arg1: i32, %arg2: memref<4096xi32, #tpu.memory_space<hbm>>, %arg3: memref<16xf32, #tpu.memory_space<hbm>>, %arg4: memref<10x128xf32, #tpu.memory_space<hbm>>, %arg5: memref<4096x128xf32, #tpu.memory_space<hbm>>, %arg6: memref<16xf32, #tpu.memory_space<vmem>>, %arg7: memref<128xi32, #tpu.memory_space<vmem>>, %arg8: memref<10x128xf32, #tpu.memory_space<vmem>>, %arg9: memref<!tpu.dma_semaphore, #tpu.memory_space<semaphore_mem>>) attributes {dimension_semantics = [#tpu.dimension_semantics<core_parallel>, #tpu.dimension_semantics<subcore_parallel>], iteration_bounds = array<i64: 2, 16>, scalar_prefetch = 0 : i64, scratch_operands = 4 : i64, tpu.core_type = #tpu.core_type<sc_vector_subcore>, window_params = [{transform_indices = #map}, {transform_indices = #map}, {transform_indices = #map1}, {transform_indices = #map1}]} {
    "tpu.region"() ({
      %run_scoped3A = tpu.sem_alloc : memref<!tpu.dma_semaphore, #tpu.memory_space<semaphore_mem>>
      tpu.enqueue_dma source(%arg3 : memref<16xf32, #tpu.memory_space<hbm>>) target(%arg6 : memref<16xf32, #tpu.memory_space<vmem>>) target_semaphore(%run_scoped3A : memref<!tpu.dma_semaphore, #tpu.memory_space<semaphore_mem>>)
      tpu.wait_dma2 semaphore(%run_scoped3A : memref<!tpu.dma_semaphore, #tpu.memory_space<semaphore_mem>>) src(%arg3 : memref<16xf32, #tpu.memory_space<hbm>>) dst(%arg6 : memref<16xf32, #tpu.memory_space<vmem>>)
      tpu.yield
    }) : () -> ()
    %get3A = arith.constant 0 : index
    %get3A_0 = tpu.vector_load %arg6[%get3A] {strides = array<i32>} : memref<16xf32, #tpu.memory_space<vmem>>, vector<16xf32>,
    %get3A_1 = vector.shape_cast %get3A_0 : vector<16xf32> to vector<16xf32>
    "tpu.region"() ({
      %run_scoped3A = tpu.sem_alloc : memref<!tpu.dma_semaphore, #tpu.memory_space<semaphore_mem>>
      tpu.enqueue_dma source(%arg4 : memref<10x128xf32, #tpu.memory_space<hbm>>) target(%arg8 : memref<10x128xf32, #tpu.memory_space<vmem>>) target_semaphore(%run_scoped3A : memref<!tpu.dma_semaphore, #tpu.memory_space<semaphore_mem>>)
      tpu.wait_dma2 semaphore(%run_scoped3A : memref<!tpu.dma_semaphore, #tpu.memory_space<semaphore_mem>>) src(%arg4 : memref<10x128xf32, #tpu.memory_space<hbm>>) dst(%arg8 : memref<10x128xf32, #tpu.memory_space<vmem>>)
      tpu.yield
    }) : () -> ()
    %scan3A = arith.constant 0 : i32
    %scan3A_2 = arith.constant 0 : i32
    %scan3A_3 = arith.constant 10 : i32
    %scan3A_4 = arith.addi %scan3A_2, %scan3A_3 : i32
    %scan3A_5 = arith.constant 1 : i32
    %scan3A_6 = scf.for %scan3A_26 = %scan3A_2 to %scan3A_4 step %scan3A_5 iter_args(%scan3A_27 = %scan3A) -> (i32)  : i32 {
      %get3A_28 = arith.index_cast %scan3A_26 : i32 to index
      %get3A_29 = arith.constant 0 : index
      %get3A_30 = tpu.vector_load %arg8[%get3A_28, %get3A_29] {strides = array<i32>} : memref<10x128xf32, #tpu.memory_space<vmem>>, vector<1x16xf32>,
      %get3A_31 = vector.shape_cast %get3A_30 : vector<1x16xf32> to vector<16xf32>
      %mul3A_32 = arith.mulf %get3A_1, %get3A_31 : vector<16xf32>
      %abs3A = math.absf %mul3A_32 : vector<16xf32>
      %neg3A = arith.constant 0.000000e+00 : f32
      %neg3A_33 = vector.broadcast %neg3A : f32 to vector<16xf32>
      %neg3A_34 = arith.subf %neg3A_33, %abs3A : vector<16xf32>
      %exp3A = math.exp %neg3A_34 : vector<16xf32>
      %add3A_35 = arith.constant 1.000000e+00 : f32
      %add3A_36 = vector.broadcast %add3A_35 : f32 to vector<16xf32>
      %add3A_37 = arith.addf %add3A_36, %exp3A : vector<16xf32>
      %div3A = arith.constant 1.000000e+00 : f32
      %div3A_38 = vector.broadcast %div3A : f32 to vector<16xf32>
      %div3A_39 = arith.divf %div3A_38, %add3A_37 : vector<16xf32>
      %ge3A = arith.constant 0.000000e+00 : f32
      %ge3A_40 = vector.broadcast %ge3A : f32 to vector<16xf32>
      %ge3A_41 = arith.cmpf oge, %mul3A_32, %ge3A_40 : vector<16xf32>
      %mul3A_42 = arith.mulf %exp3A, %div3A_39 : vector<16xf32>
      %select_n3A = arith.select %ge3A_41, %div3A_39, %mul3A_42 : vector<16xi1>, vector<16xf32>
      %swap3A = arith.index_cast %scan3A_26 : i32 to index
      %swap3A_43 = arith.constant 0 : index
      %swap3A_44 = tpu.vector_load %arg8[%swap3A, %swap3A_43] {strides = array<i32>} : memref<10x128xf32, #tpu.memory_space<vmem>>, vector<1x16xf32>,
      %swap3A_45 = vector.shape_cast %swap3A_44 : vector<1x16xf32> to vector<16xf32>
      %swap3A_46 = vector.shape_cast %select_n3A : vector<16xf32> to vector<1x16xf32>
      tpu.vector_store %arg8[%swap3A, %swap3A_43], %swap3A_46 {strides = array<i32>} : memref<10x128xf32, #tpu.memory_space<vmem>>, vector<1x16xf32>,
      %get3A_47 = arith.index_cast %scan3A_26 : i32 to index
      %get3A_48 = arith.constant 16 : index
      %get3A_49 = tpu.vector_load %arg8[%get3A_47, %get3A_48] {strides = array<i32>} : memref<10x128xf32, #tpu.memory_space<vmem>>, vector<1x16xf32>,
      %get3A_50 = vector.shape_cast %get3A_49 : vector<1x16xf32> to vector<16xf32>
      %mul3A_51 = arith.mulf %get3A_1, %get3A_50 : vector<16xf32>
      %abs3A_52 = math.absf %mul3A_51 : vector<16xf32>
      %neg3A_53 = arith.constant 0.000000e+00 : f32
      %neg3A_54 = vector.broadcast %neg3A_53 : f32 to vector<16xf32>
      %neg3A_55 = arith.subf %neg3A_54, %abs3A_52 : vector<16xf32>
      %exp3A_56 = math.exp %neg3A_55 : vector<16xf32>
      %add3A_57 = arith.constant 1.000000e+00 : f32
      %add3A_58 = vector.broadcast %add3A_57 : f32 to vector<16xf32>
      %add3A_59 = arith.addf %add3A_58, %exp3A_56 : vector<16xf32>
      %div3A_60 = arith.constant 1.000000e+00 : f32
      %div3A_61 = vector.broadcast %div3A_60 : f32 to vector<16xf32>
      %div3A_62 = arith.divf %div3A_61, %add3A_59 : vector<16xf32>
      %ge3A_63 = arith.constant 0.000000e+00 : f32
      %ge3A_64 = vector.broadcast %ge3A_63 : f32 to vector<16xf32>
      %ge3A_65 = arith.cmpf oge, %mul3A_51, %ge3A_64 : vector<16xf32>
      %mul3A_66 = arith.mulf %exp3A_56, %div3A_62 : vector<16xf32>
      %select_n3A_67 = arith.select %ge3A_65, %div3A_62, %mul3A_66 : vector<16xi1>, vector<16xf32>
      %swap3A_68 = arith.index_cast %scan3A_26 : i32 to index
      %swap3A_69 = arith.constant 16 : index
      %swap3A_70 = tpu.vector_load %arg8[%swap3A_68, %swap3A_69] {strides = array<i32>} : memref<10x128xf32, #tpu.memory_space<vmem>>, vector<1x16xf32>,
      %swap3A_71 = vector.shape_cast %swap3A_70 : vector<1x16xf32> to vector<16xf32>
      %swap3A_72 = vector.shape_cast %select_n3A_67 : vector<16xf32> to vector<1x16xf32>
      tpu.vector_store %arg8[%swap3A_68, %swap3A_69], %swap3A_72 {strides = array<i32>} : memref<10x128xf32, #tpu.memory_space<vmem>>, vector<1x16xf32>,
      %get3A_73 = arith.index_cast %scan3A_26 : i32 to index
      %get3A_74 = arith.constant 32 : index
      %get3A_75 = tpu.vector_load %arg8[%get3A_73, %get3A_74] {strides = array<i32>} : memref<10x128xf32, #tpu.memory_space<vmem>>, vector<1x16xf32>,
      %get3A_76 = vector.shape_cast %get3A_75 : vector<1x16xf32> to vector<16xf32>
      %mul3A_77 = arith.mulf %get3A_1, %get3A_76 : vector<16xf32>
      %abs3A_78 = math.absf %mul3A_77 : vector<16xf32>
      %neg3A_79 = arith.constant 0.000000e+00 : f32
      %neg3A_80 = vector.broadcast %neg3A_79 : f32 to vector<16xf32>
      %neg3A_81 = arith.subf %neg3A_80, %abs3A_78 : vector<16xf32>
      %exp3A_82 = math.exp %neg3A_81 : vector<16xf32>
      %add3A_83 = arith.constant 1.000000e+00 : f32
      %add3A_84 = vector.broadcast %add3A_83 : f32 to vector<16xf32>
      %add3A_85 = arith.addf %add3A_84, %exp3A_82 : vector<16xf32>
      %div3A_86 = arith.constant 1.000000e+00 : f32
      %div3A_87 = vector.broadcast %div3A_86 : f32 to vector<16xf32>
      %div3A_88 = arith.divf %div3A_87, %add3A_85 : vector<16xf32>
      %ge3A_89 = arith.constant 0.000000e+00 : f32
      %ge3A_90 = vector.broadcast %ge3A_89 : f32 to vector<16xf32>
      %ge3A_91 = arith.cmpf oge, %mul3A_77, %ge3A_90 : vector<16xf32>
      %mul3A_92 = arith.mulf %exp3A_82, %div3A_88 : vector<16xf32>
      %select_n3A_93 = arith.select %ge3A_91, %div3A_88, %mul3A_92 : vector<16xi1>, vector<16xf32>
      %swap3A_94 = arith.index_cast %scan3A_26 : i32 to index
      %swap3A_95 = arith.constant 32 : index
      %swap3A_96 = tpu.vector_load %arg8[%swap3A_94, %swap3A_95] {strides = array<i32>} : memref<10x128xf32, #tpu.memory_space<vmem>>, vector<1x16xf32>,
      %swap3A_97 = vector.shape_cast %swap3A_96 : vector<1x16xf32> to vector<16xf32>
      %swap3A_98 = vector.shape_cast %select_n3A_93 : vector<16xf32> to vector<1x16xf32>
      tpu.vector_store %arg8[%swap3A_94, %swap3A_95], %swap3A_98 {strides = array<i32>} : memref<10x128xf32, #tpu.memory_space<vmem>>, vector<1x16xf32>,
      %get3A_99 = arith.index_cast %scan3A_26 : i32 to index
      %get3A_100 = arith.constant 48 : index
      %get3A_101 = tpu.vector_load %arg8[%get3A_99, %get3A_100] {strides = array<i32>} : memref<10x128xf32, #tpu.memory_space<vmem>>, vector<1x16xf32>,
      %get3A_102 = vector.shape_cast %get3A_101 : vector<1x16xf32> to vector<16xf32>
      %mul3A_103 = arith.mulf %get3A_1, %get3A_102 : vector<16xf32>
      %abs3A_104 = math.absf %mul3A_103 : vector<16xf32>
      %neg3A_105 = arith.constant 0.000000e+00 : f32
      %neg3A_106 = vector.broadcast %neg3A_105 : f32 to vector<16xf32>
      %neg3A_107 = arith.subf %neg3A_106, %abs3A_104 : vector<16xf32>
      %exp3A_108 = math.exp %neg3A_107 : vector<16xf32>
      %add3A_109 = arith.constant 1.000000e+00 : f32
      %add3A_110 = vector.broadcast %add3A_109 : f32 to vector<16xf32>
      %add3A_111 = arith.addf %add3A_110, %exp3A_108 : vector<16xf32>
      %div3A_112 = arith.constant 1.000000e+00 : f32
      %div3A_113 = vector.broadcast %div3A_112 : f32 to vector<16xf32>
      %div3A_114 = arith.divf %div3A_113, %add3A_111 : vector<16xf32>
      %ge3A_115 = arith.constant 0.000000e+00 : f32
      %ge3A_116 = vector.broadcast %ge3A_115 : f32 to vector<16xf32>
      %ge3A_117 = arith.cmpf oge, %mul3A_103, %ge3A_116 : vector<16xf32>
      %mul3A_118 = arith.mulf %exp3A_108, %div3A_114 : vector<16xf32>
      %select_n3A_119 = arith.select %ge3A_117, %div3A_114, %mul3A_118 : vector<16xi1>, vector<16xf32>
      %swap3A_120 = arith.index_cast %scan3A_26 : i32 to index
      %swap3A_121 = arith.constant 48 : index
      %swap3A_122 = tpu.vector_load %arg8[%swap3A_120, %swap3A_121] {strides = array<i32>} : memref<10x128xf32, #tpu.memory_space<vmem>>, vector<1x16xf32>,
      %swap3A_123 = vector.shape_cast %swap3A_122 : vector<1x16xf32> to vector<16xf32>
      %swap3A_124 = vector.shape_cast %select_n3A_119 : vector<16xf32> to vector<1x16xf32>
      tpu.vector_store %arg8[%swap3A_120, %swap3A_121], %swap3A_124 {strides = array<i32>} : memref<10x128xf32, #tpu.memory_space<vmem>>, vector<1x16xf32>,
      %get3A_125 = arith.index_cast %scan3A_26 : i32 to index
      %get3A_126 = arith.constant 64 : index
      %get3A_127 = tpu.vector_load %arg8[%get3A_125, %get3A_126] {strides = array<i32>} : memref<10x128xf32, #tpu.memory_space<vmem>>, vector<1x16xf32>,
      %get3A_128 = vector.shape_cast %get3A_127 : vector<1x16xf32> to vector<16xf32>
      %mul3A_129 = arith.mulf %get3A_1, %get3A_128 : vector<16xf32>
      %abs3A_130 = math.absf %mul3A_129 : vector<16xf32>
      %neg3A_131 = arith.constant 0.000000e+00 : f32
      %neg3A_132 = vector.broadcast %neg3A_131 : f32 to vector<16xf32>
      %neg3A_133 = arith.subf %neg3A_132, %abs3A_130 : vector<16xf32>
      %exp3A_134 = math.exp %neg3A_133 : vector<16xf32>
      %add3A_135 = arith.constant 1.000000e+00 : f32
      %add3A_136 = vector.broadcast %add3A_135 : f32 to vector<16xf32>
      %add3A_137 = arith.addf %add3A_136, %exp3A_134 : vector<16xf32>
      %div3A_138 = arith.constant 1.000000e+00 : f32
      %div3A_139 = vector.broadcast %div3A_138 : f32 to vector<16xf32>
      %div3A_140 = arith.divf %div3A_139, %add3A_137 : vector<16xf32>
      %ge3A_141 = arith.constant 0.000000e+00 : f32
      %ge3A_142 = vector.broadcast %ge3A_141 : f32 to vector<16xf32>
      %ge3A_143 = arith.cmpf oge, %mul3A_129, %ge3A_142 : vector<16xf32>
      %mul3A_144 = arith.mulf %exp3A_134, %div3A_140 : vector<16xf32>
      %select_n3A_145 = arith.select %ge3A_143, %div3A_140, %mul3A_144 : vector<16xi1>, vector<16xf32>
      %swap3A_146 = arith.index_cast %scan3A_26 : i32 to index
      %swap3A_147 = arith.constant 64 : index
      %swap3A_148 = tpu.vector_load %arg8[%swap3A_146, %swap3A_147] {strides = array<i32>} : memref<10x128xf32, #tpu.memory_space<vmem>>, vector<1x16xf32>,
      %swap3A_149 = vector.shape_cast %swap3A_148 : vector<1x16xf32> to vector<16xf32>
      %swap3A_150 = vector.shape_cast %select_n3A_145 : vector<16xf32> to vector<1x16xf32>
      tpu.vector_store %arg8[%swap3A_146, %swap3A_147], %swap3A_150 {strides = array<i32>} : memref<10x128xf32, #tpu.memory_space<vmem>>, vector<1x16xf32>,
      %get3A_151 = arith.index_cast %scan3A_26 : i32 to index
      %get3A_152 = arith.constant 80 : index
      %get3A_153 = tpu.vector_load %arg8[%get3A_151, %get3A_152] {strides = array<i32>} : memref<10x128xf32, #tpu.memory_space<vmem>>, vector<1x16xf32>,
      %get3A_154 = vector.shape_cast %get3A_153 : vector<1x16xf32> to vector<16xf32>
      %mul3A_155 = arith.mulf %get3A_1, %get3A_154 : vector<16xf32>
      %abs3A_156 = math.absf %mul3A_155 : vector<16xf32>
      %neg3A_157 = arith.constant 0.000000e+00 : f32
      %neg3A_158 = vector.broadcast %neg3A_157 : f32 to vector<16xf32>
      %neg3A_159 = arith.subf %neg3A_158, %abs3A_156 : vector<16xf32>
      %exp3A_160 = math.exp %neg3A_159 : vector<16xf32>
      %add3A_161 = arith.constant 1.000000e+00 : f32
      %add3A_162 = vector.broadcast %add3A_161 : f32 to vector<16xf32>
      %add3A_163 = arith.addf %add3A_162, %exp3A_160 : vector<16xf32>
      %div3A_164 = arith.constant 1.000000e+00 : f32
      %div3A_165 = vector.broadcast %div3A_164 : f32 to vector<16xf32>
      %div3A_166 = arith.divf %div3A_165, %add3A_163 : vector<16xf32>
      %ge3A_167 = arith.constant 0.000000e+00 : f32
      %ge3A_168 = vector.broadcast %ge3A_167 : f32 to vector<16xf32>
      %ge3A_169 = arith.cmpf oge, %mul3A_155, %ge3A_168 : vector<16xf32>
      %mul3A_170 = arith.mulf %exp3A_160, %div3A_166 : vector<16xf32>
      %select_n3A_171 = arith.select %ge3A_169, %div3A_166, %mul3A_170 : vector<16xi1>, vector<16xf32>
      %swap3A_172 = arith.index_cast %scan3A_26 : i32 to index
      %swap3A_173 = arith.constant 80 : index
      %swap3A_174 = tpu.vector_load %arg8[%swap3A_172, %swap3A_173] {strides = array<i32>} : memref<10x128xf32, #tpu.memory_space<vmem>>, vector<1x16xf32>,
      %swap3A_175 = vector.shape_cast %swap3A_174 : vector<1x16xf32> to vector<16xf32>
      %swap3A_176 = vector.shape_cast %select_n3A_171 : vector<16xf32> to vector<1x16xf32>
      tpu.vector_store %arg8[%swap3A_172, %swap3A_173], %swap3A_176 {strides = array<i32>} : memref<10x128xf32, #tpu.memory_space<vmem>>, vector<1x16xf32>,
      %get3A_177 = arith.index_cast %scan3A_26 : i32 to index
      %get3A_178 = arith.constant 96 : index
      %get3A_179 = tpu.vector_load %arg8[%get3A_177, %get3A_178] {strides = array<i32>} : memref<10x128xf32, #tpu.memory_space<vmem>>, vector<1x16xf32>,
      %get3A_180 = vector.shape_cast %get3A_179 : vector<1x16xf32> to vector<16xf32>
      %mul3A_181 = arith.mulf %get3A_1, %get3A_180 : vector<16xf32>
      %abs3A_182 = math.absf %mul3A_181 : vector<16xf32>
      %neg3A_183 = arith.constant 0.000000e+00 : f32
      %neg3A_184 = vector.broadcast %neg3A_183 : f32 to vector<16xf32>
      %neg3A_185 = arith.subf %neg3A_184, %abs3A_182 : vector<16xf32>
      %exp3A_186 = math.exp %neg3A_185 : vector<16xf32>
      %add3A_187 = arith.constant 1.000000e+00 : f32
      %add3A_188 = vector.broadcast %add3A_187 : f32 to vector<16xf32>
      %add3A_189 = arith.addf %add3A_188, %exp3A_186 : vector<16xf32>
      %div3A_190 = arith.constant 1.000000e+00 : f32
      %div3A_191 = vector.broadcast %div3A_190 : f32 to vector<16xf32>
      %div3A_192 = arith.divf %div3A_191, %add3A_189 : vector<16xf32>
      %ge3A_193 = arith.constant 0.000000e+00 : f32
      %ge3A_194 = vector.broadcast %ge3A_193 : f32 to vector<16xf32>
      %ge3A_195 = arith.cmpf oge, %mul3A_181, %ge3A_194 : vector<16xf32>
      %mul3A_196 = arith.mulf %exp3A_186, %div3A_192 : vector<16xf32>
      %select_n3A_197 = arith.select %ge3A_195, %div3A_192, %mul3A_196 : vector<16xi1>, vector<16xf32>
      %swap3A_198 = arith.index_cast %scan3A_26 : i32 to index
      %swap3A_199 = arith.constant 96 : index
      %swap3A_200 = tpu.vector_load %arg8[%swap3A_198, %swap3A_199] {strides = array<i32>} : memref<10x128xf32, #tpu.memory_space<vmem>>, vector<1x16xf32>,
      %swap3A_201 = vector.shape_cast %swap3A_200 : vector<1x16xf32> to vector<16xf32>
      %swap3A_202 = vector.shape_cast %select_n3A_197 : vector<16xf32> to vector<1x16xf32>
      tpu.vector_store %arg8[%swap3A_198, %swap3A_199], %swap3A_202 {strides = array<i32>} : memref<10x128xf32, #tpu.memory_space<vmem>>, vector<1x16xf32>,
      %get3A_203 = arith.index_cast %scan3A_26 : i32 to index
      %get3A_204 = arith.constant 112 : index
      %get3A_205 = tpu.vector_load %arg8[%get3A_203, %get3A_204] {strides = array<i32>} : memref<10x128xf32, #tpu.memory_space<vmem>>, vector<1x16xf32>,
      %get3A_206 = vector.shape_cast %get3A_205 : vector<1x16xf32> to vector<16xf32>
      %mul3A_207 = arith.mulf %get3A_1, %get3A_206 : vector<16xf32>
      %abs3A_208 = math.absf %mul3A_207 : vector<16xf32>
      %neg3A_209 = arith.constant 0.000000e+00 : f32
      %neg3A_210 = vector.broadcast %neg3A_209 : f32 to vector<16xf32>
      %neg3A_211 = arith.subf %neg3A_210, %abs3A_208 : vector<16xf32>
      %exp3A_212 = math.exp %neg3A_211 : vector<16xf32>
      %add3A_213 = arith.constant 1.000000e+00 : f32
      %add3A_214 = vector.broadcast %add3A_213 : f32 to vector<16xf32>
      %add3A_215 = arith.addf %add3A_214, %exp3A_212 : vector<16xf32>
      %div3A_216 = arith.constant 1.000000e+00 : f32
      %div3A_217 = vector.broadcast %div3A_216 : f32 to vector<16xf32>
      %div3A_218 = arith.divf %div3A_217, %add3A_215 : vector<16xf32>
      %ge3A_219 = arith.constant 0.000000e+00 : f32
      %ge3A_220 = vector.broadcast %ge3A_219 : f32 to vector<16xf32>
      %ge3A_221 = arith.cmpf oge, %mul3A_207, %ge3A_220 : vector<16xf32>
      %mul3A_222 = arith.mulf %exp3A_212, %div3A_218 : vector<16xf32>
      %select_n3A_223 = arith.select %ge3A_221, %div3A_218, %mul3A_222 : vector<16xi1>, vector<16xf32>
      %swap3A_224 = arith.index_cast %scan3A_26 : i32 to index
      %swap3A_225 = arith.constant 112 : index
      %swap3A_226 = tpu.vector_load %arg8[%swap3A_224, %swap3A_225] {strides = array<i32>} : memref<10x128xf32, #tpu.memory_space<vmem>>, vector<1x16xf32>,
      %swap3A_227 = vector.shape_cast %swap3A_226 : vector<1x16xf32> to vector<16xf32>
      %swap3A_228 = vector.shape_cast %select_n3A_223 : vector<16xf32> to vector<1x16xf32>
      tpu.vector_store %arg8[%swap3A_224, %swap3A_225], %swap3A_228 {strides = array<i32>} : memref<10x128xf32, #tpu.memory_space<vmem>>, vector<1x16xf32>,
      %scan3A_229 = arith.constant 0 : i32
      scf.yield %scan3A_229 : i32
    }
    %scan3A_7 = arith.constant 10 : i32
    %mul3A = arith.constant 2 : i32
    %mul3A_8 = arith.muli %arg1, %mul3A : i32
    %add3A = arith.addi %mul3A_8, %arg0 : i32
    %mul3A_9 = arith.constant 128 : i32
    %mul3A_10 = arith.muli %add3A, %mul3A_9 : i32
    "tpu.region"() ({
      %run_scoped3A = tpu.sem_alloc : memref<!tpu.dma_semaphore, #tpu.memory_space<semaphore_mem>>
      %dma_start3A = tpu.memref_slice %arg2[%mul3A_10] : memref<4096xi32, #tpu.memory_space<hbm>> -> memref<128xi32, #tpu.memory_space<hbm>>
      %dma_start3A_26 = tpu.memref_slice %arg2[%mul3A_10] : memref<4096xi32, #tpu.memory_space<hbm>> -> memref<128xi32, #tpu.memory_space<hbm>>
      tpu.enqueue_dma source(%dma_start3A_26 : memref<128xi32, #tpu.memory_space<hbm>>) target(%arg7 : memref<128xi32, #tpu.memory_space<vmem>>) target_semaphore(%run_scoped3A : memref<!tpu.dma_semaphore, #tpu.memory_space<semaphore_mem>>)
      %dma_wait3A = tpu.memref_slice %arg2[%mul3A_10] : memref<4096xi32, #tpu.memory_space<hbm>> -> memref<128xi32, #tpu.memory_space<hbm>>
      %dma_wait3A_27 = tpu.memref_slice %arg2[%mul3A_10] : memref<4096xi32, #tpu.memory_space<hbm>> -> memref<128xi32, #tpu.memory_space<hbm>>
      tpu.wait_dma2 semaphore(%run_scoped3A : memref<!tpu.dma_semaphore, #tpu.memory_space<semaphore_mem>>) src(%dma_wait3A_27 : memref<128xi32, #tpu.memory_space<hbm>>) dst(%arg7 : memref<128xi32, #tpu.memory_space<vmem>>)
      tpu.yield
    }) : () -> ()
    %scan3A_11 = arith.constant 0 : i32
    %scan3A_12 = arith.constant 0 : i32
    %scan3A_13 = arith.constant 8 : i32
    %scan3A_14 = arith.addi %scan3A_12, %scan3A_13 : i32
    %scan3A_15 = arith.constant 1 : i32
    %scan3A_16 = scf.for %scan3A_26 = %scan3A_12 to %scan3A_14 step %scan3A_15 iter_args(%scan3A_27 = %scan3A_11) -> (i32)  : i32 {
      %mul3A_28 = arith.constant 16 : i32
      %mul3A_29 = arith.muli %scan3A_26, %mul3A_28 : i32
      %get3A_30 = arith.index_cast %mul3A_29 : i32 to index
      %get3A_31 = tpu.vector_load %arg7[%get3A_30] {strides = array<i32>} : memref<128xi32, #tpu.memory_space<vmem>>, vector<16xi32>,
      %get3A_32 = vector.shape_cast %get3A_31 : vector<16xi32> to vector<16xi32>
      %slice3A = vector.extract_strided_slice %get3A_32 {offsets = [0], sizes = [1], strides = [1]} : vector<16xi32> to vector<1xi32>
      %squeeze3A = vector.extract %slice3A[0] : i32 from vector<1xi32>
      %mul3A_33 = arith.constant 16 : i32
      %mul3A_34 = arith.muli %scan3A_26, %mul3A_33 : i32
      %add3A_35 = arith.constant 0 : i32
      %add3A_36 = arith.addi %mul3A_34, %add3A_35 : i32
      %add3A_37 = arith.addi %mul3A_10, %add3A_36 : i32
      %dma_start3A = arith.constant 0 : i32
      %dma_start3A_38 = tpu.memref_slice %arg8[%squeeze3A, %dma_start3A] : memref<10x128xf32, #tpu.memory_space<vmem>> -> memref<1x128xf32, #tpu.memory_space<vmem>>
      %dma_start3A_39 = tpu.memref_squeeze %dma_start3A_38 : memref<1x128xf32, #tpu.memory_space<vmem>> -> memref<128xf32, #tpu.memory_space<vmem>>
      %dma_start3A_40 = arith.constant 0 : i32
      %dma_start3A_41 = tpu.memref_slice %arg5[%add3A_37, %dma_start3A_40] : memref<4096x128xf32, #tpu.memory_space<hbm>> -> memref<1x128xf32, #tpu.memory_space<hbm>>
      %dma_start3A_42 = tpu.memref_squeeze %dma_start3A_41 : memref<1x128xf32, #tpu.memory_space<hbm>> -> memref<128xf32, #tpu.memory_space<hbm>>
      %dma_start3A_43 = arith.constant 0 : i32
      %dma_start3A_44 = tpu.memref_slice %arg5[%add3A_37, %dma_start3A_43] : memref<4096x128xf32, #tpu.memory_space<hbm>> -> memref<1x128xf32, #tpu.memory_space<hbm>>
      %dma_start3A_45 = tpu.memref_squeeze %dma_start3A_44 : memref<1x128xf32, #tpu.memory_space<hbm>> -> memref<128xf32, #tpu.memory_space<hbm>>
      %dma_start3A_46 = arith.constant 0 : i32
      %dma_start3A_47 = tpu.memref_slice %arg8[%squeeze3A, %dma_start3A_46] : memref<10x128xf32, #tpu.memory_space<vmem>> -> memref<1x128xf32, #tpu.memory_space<vmem>>
      %dma_start3A_48 = tpu.memref_squeeze %dma_start3A_47 : memref<1x128xf32, #tpu.memory_space<vmem>> -> memref<128xf32, #tpu.memory_space<vmem>>
      tpu.enqueue_dma source(%dma_start3A_48 : memref<128xf32, #tpu.memory_space<vmem>>) target(%dma_start3A_45 : memref<128xf32, #tpu.memory_space<hbm>>) target_semaphore(%arg9 : memref<!tpu.dma_semaphore, #tpu.memory_space<semaphore_mem>>)
      %slice3A_49 = vector.extract_strided_slice %get3A_32 {offsets = [1], sizes = [1], strides = [1]} : vector<16xi32> to vector<1xi32>
      %squeeze3A_50 = vector.extract %slice3A_49[0] : i32 from vector<1xi32>
      %mul3A_51 = arith.constant 16 : i32
      %mul3A_52 = arith.muli %scan3A_26, %mul3A_51 : i32
      %add3A_53 = arith.constant 1 : i32
      %add3A_54 = arith.addi %mul3A_52, %add3A_53 : i32
      %add3A_55 = arith.addi %mul3A_10, %add3A_54 : i32
      %dma_start3A_56 = arith.constant 0 : i32
      %dma_start3A_57 = tpu.memref_slice %arg8[%squeeze3A_50, %dma_start3A_56] : memref<10x128xf32, #tpu.memory_space<vmem>> -> memref<1x128xf32, #tpu.memory_space<vmem>>
      %dma_start3A_58 = tpu.memref_squeeze %dma_start3A_57 : memref<1x128xf32, #tpu.memory_space<vmem>> -> memref<128xf32, #tpu.memory_space<vmem>>
      %dma_start3A_59 = arith.constant 0 : i32
      %dma_start3A_60 = tpu.memref_slice %arg5[%add3A_55, %dma_start3A_59] : memref<4096x128xf32, #tpu.memory_space<hbm>> -> memref<1x128xf32, #tpu.memory_space<hbm>>
      %dma_start3A_61 = tpu.memref_squeeze %dma_start3A_60 : memref<1x128xf32, #tpu.memory_space<hbm>> -> memref<128xf32, #tpu.memory_space<hbm>>
      %dma_start3A_62 = arith.constant 0 : i32
      %dma_start3A_63 = tpu.memref_slice %arg5[%add3A_55, %dma_start3A_62] : memref<4096x128xf32, #tpu.memory_space<hbm>> -> memref<1x128xf32, #tpu.memory_space<hbm>>
      %dma_start3A_64 = tpu.memref_squeeze %dma_start3A_63 : memref<1x128xf32, #tpu.memory_space<hbm>> -> memref<128xf32, #tpu.memory_space<hbm>>
      %dma_start3A_65 = arith.constant 0 : i32
      %dma_start3A_66 = tpu.memref_slice %arg8[%squeeze3A_50, %dma_start3A_65] : memref<10x128xf32, #tpu.memory_space<vmem>> -> memref<1x128xf32, #tpu.memory_space<vmem>>
      %dma_start3A_67 = tpu.memref_squeeze %dma_start3A_66 : memref<1x128xf32, #tpu.memory_space<vmem>> -> memref<128xf32, #tpu.memory_space<vmem>>
      tpu.enqueue_dma source(%dma_start3A_67 : memref<128xf32, #tpu.memory_space<vmem>>) target(%dma_start3A_64 : memref<128xf32, #tpu.memory_space<hbm>>) target_semaphore(%arg9 : memref<!tpu.dma_semaphore, #tpu.memory_space<semaphore_mem>>)
      %slice3A_68 = vector.extract_strided_slice %get3A_32 {offsets = [2], sizes = [1], strides = [1]} : vector<16xi32> to vector<1xi32>
      %squeeze3A_69 = vector.extract %slice3A_68[0] : i32 from vector<1xi32>
      %mul3A_70 = arith.constant 16 : i32
      %mul3A_71 = arith.muli %scan3A_26, %mul3A_70 : i32
      %add3A_72 = arith.constant 2 : i32
      %add3A_73 = arith.addi %mul3A_71, %add3A_72 : i32
      %add3A_74 = arith.addi %mul3A_10, %add3A_73 : i32
      %dma_start3A_75 = arith.constant 0 : i32
      %dma_start3A_76 = tpu.memref_slice %arg8[%squeeze3A_69, %dma_start3A_75] : memref<10x128xf32, #tpu.memory_space<vmem>> -> memref<1x128xf32, #tpu.memory_space<vmem>>
      %dma_start3A_77 = tpu.memref_squeeze %dma_start3A_76 : memref<1x128xf32, #tpu.memory_space<vmem>> -> memref<128xf32, #tpu.memory_space<vmem>>
      %dma_start3A_78 = arith.constant 0 : i32
      %dma_start3A_79 = tpu.memref_slice %arg5[%add3A_74, %dma_start3A_78] : memref<4096x128xf32, #tpu.memory_space<hbm>> -> memref<1x128xf32, #tpu.memory_space<hbm>>
      %dma_start3A_80 = tpu.memref_squeeze %dma_start3A_79 : memref<1x128xf32, #tpu.memory_space<hbm>> -> memref<128xf32, #tpu.memory_space<hbm>>
      %dma_start3A_81 = arith.constant 0 : i32
      %dma_start3A_82 = tpu.memref_slice %arg5[%add3A_74, %dma_start3A_81] : memref<4096x128xf32, #tpu.memory_space<hbm>> -> memref<1x128xf32, #tpu.memory_space<hbm>>
      %dma_start3A_83 = tpu.memref_squeeze %dma_start3A_82 : memref<1x128xf32, #tpu.memory_space<hbm>> -> memref<128xf32, #tpu.memory_space<hbm>>
      %dma_start3A_84 = arith.constant 0 : i32
      %dma_start3A_85 = tpu.memref_slice %arg8[%squeeze3A_69, %dma_start3A_84] : memref<10x128xf32, #tpu.memory_space<vmem>> -> memref<1x128xf32, #tpu.memory_space<vmem>>
      %dma_start3A_86 = tpu.memref_squeeze %dma_start3A_85 : memref<1x128xf32, #tpu.memory_space<vmem>> -> memref<128xf32, #tpu.memory_space<vmem>>
      tpu.enqueue_dma source(%dma_start3A_86 : memref<128xf32, #tpu.memory_space<vmem>>) target(%dma_start3A_83 : memref<128xf32, #tpu.memory_space<hbm>>) target_semaphore(%arg9 : memref<!tpu.dma_semaphore, #tpu.memory_space<semaphore_mem>>)
      %slice3A_87 = vector.extract_strided_slice %get3A_32 {offsets = [3], sizes = [1], strides = [1]} : vector<16xi32> to vector<1xi32>
      %squeeze3A_88 = vector.extract %slice3A_87[0] : i32 from vector<1xi32>
      %mul3A_89 = arith.constant 16 : i32
      %mul3A_90 = arith.muli %scan3A_26, %mul3A_89 : i32
      %add3A_91 = arith.constant 3 : i32
      %add3A_92 = arith.addi %mul3A_90, %add3A_91 : i32
      %add3A_93 = arith.addi %mul3A_10, %add3A_92 : i32
      %dma_start3A_94 = arith.constant 0 : i32
      %dma_start3A_95 = tpu.memref_slice %arg8[%squeeze3A_88, %dma_start3A_94] : memref<10x128xf32, #tpu.memory_space<vmem>> -> memref<1x128xf32, #tpu.memory_space<vmem>>
      %dma_start3A_96 = tpu.memref_squeeze %dma_start3A_95 : memref<1x128xf32, #tpu.memory_space<vmem>> -> memref<128xf32, #tpu.memory_space<vmem>>
      %dma_start3A_97 = arith.constant 0 : i32
      %dma_start3A_98 = tpu.memref_slice %arg5[%add3A_93, %dma_start3A_97] : memref<4096x128xf32, #tpu.memory_space<hbm>> -> memref<1x128xf32, #tpu.memory_space<hbm>>
      %dma_start3A_99 = tpu.memref_squeeze %dma_start3A_98 : memref<1x128xf32, #tpu.memory_space<hbm>> -> memref<128xf32, #tpu.memory_space<hbm>>
      %dma_start3A_100 = arith.constant 0 : i32
      %dma_start3A_101 = tpu.memref_slice %arg5[%add3A_93, %dma_start3A_100] : memref<4096x128xf32, #tpu.memory_space<hbm>> -> memref<1x128xf32, #tpu.memory_space<hbm>>
      %dma_start3A_102 = tpu.memref_squeeze %dma_start3A_101 : memref<1x128xf32, #tpu.memory_space<hbm>> -> memref<128xf32, #tpu.memory_space<hbm>>
      %dma_start3A_103 = arith.constant 0 : i32
      %dma_start3A_104 = tpu.memref_slice %arg8[%squeeze3A_88, %dma_start3A_103] : memref<10x128xf32, #tpu.memory_space<vmem>> -> memref<1x128xf32, #tpu.memory_space<vmem>>
      %dma_start3A_105 = tpu.memref_squeeze %dma_start3A_104 : memref<1x128xf32, #tpu.memory_space<vmem>> -> memref<128xf32, #tpu.memory_space<vmem>>
      tpu.enqueue_dma source(%dma_start3A_105 : memref<128xf32, #tpu.memory_space<vmem>>) target(%dma_start3A_102 : memref<128xf32, #tpu.memory_space<hbm>>) target_semaphore(%arg9 : memref<!tpu.dma_semaphore, #tpu.memory_space<semaphore_mem>>)
      %slice3A_106 = vector.extract_strided_slice %get3A_32 {offsets = [4], sizes = [1], strides = [1]} : vector<16xi32> to vector<1xi32>
      %squeeze3A_107 = vector.extract %slice3A_106[0] : i32 from vector<1xi32>
      %mul3A_108 = arith.constant 16 : i32
      %mul3A_109 = arith.muli %scan3A_26, %mul3A_108 : i32
      %add3A_110 = arith.constant 4 : i32
      %add3A_111 = arith.addi %mul3A_109, %add3A_110 : i32
      %add3A_112 = arith.addi %mul3A_10, %add3A_111 : i32
      %dma_start3A_113 = arith.constant 0 : i32
      %dma_start3A_114 = tpu.memref_slice %arg8[%squeeze3A_107, %dma_start3A_113] : memref<10x128xf32, #tpu.memory_space<vmem>> -> memref<1x128xf32, #tpu.memory_space<vmem>>
      %dma_start3A_115 = tpu.memref_squeeze %dma_start3A_114 : memref<1x128xf32, #tpu.memory_space<vmem>> -> memref<128xf32, #tpu.memory_space<vmem>>
      %dma_start3A_116 = arith.constant 0 : i32
      %dma_start3A_117 = tpu.memref_slice %arg5[%add3A_112, %dma_start3A_116] : memref<4096x128xf32, #tpu.memory_space<hbm>> -> memref<1x128xf32, #tpu.memory_space<hbm>>
      %dma_start3A_118 = tpu.memref_squeeze %dma_start3A_117 : memref<1x128xf32, #tpu.memory_space<hbm>> -> memref<128xf32, #tpu.memory_space<hbm>>
      %dma_start3A_119 = arith.constant 0 : i32
      %dma_start3A_120 = tpu.memref_slice %arg5[%add3A_112, %dma_start3A_119] : memref<4096x128xf32, #tpu.memory_space<hbm>> -> memref<1x128xf32, #tpu.memory_space<hbm>>
      %dma_start3A_121 = tpu.memref_squeeze %dma_start3A_120 : memref<1x128xf32, #tpu.memory_space<hbm>> -> memref<128xf32, #tpu.memory_space<hbm>>
      %dma_start3A_122 = arith.constant 0 : i32
      %dma_start3A_123 = tpu.memref_slice %arg8[%squeeze3A_107, %dma_start3A_122] : memref<10x128xf32, #tpu.memory_space<vmem>> -> memref<1x128xf32, #tpu.memory_space<vmem>>
      %dma_start3A_124 = tpu.memref_squeeze %dma_start3A_123 : memref<1x128xf32, #tpu.memory_space<vmem>> -> memref<128xf32, #tpu.memory_space<vmem>>
      tpu.enqueue_dma source(%dma_start3A_124 : memref<128xf32, #tpu.memory_space<vmem>>) target(%dma_start3A_121 : memref<128xf32, #tpu.memory_space<hbm>>) target_semaphore(%arg9 : memref<!tpu.dma_semaphore, #tpu.memory_space<semaphore_mem>>)
      %slice3A_125 = vector.extract_strided_slice %get3A_32 {offsets = [5], sizes = [1], strides = [1]} : vector<16xi32> to vector<1xi32>
      %squeeze3A_126 = vector.extract %slice3A_125[0] : i32 from vector<1xi32>
      %mul3A_127 = arith.constant 16 : i32
      %mul3A_128 = arith.muli %scan3A_26, %mul3A_127 : i32
      %add3A_129 = arith.constant 5 : i32
      %add3A_130 = arith.addi %mul3A_128, %add3A_129 : i32
      %add3A_131 = arith.addi %mul3A_10, %add3A_130 : i32
      %dma_start3A_132 = arith.constant 0 : i32
      %dma_start3A_133 = tpu.memref_slice %arg8[%squeeze3A_126, %dma_start3A_132] : memref<10x128xf32, #tpu.memory_space<vmem>> -> memref<1x128xf32, #tpu.memory_space<vmem>>
      %dma_start3A_134 = tpu.memref_squeeze %dma_start3A_133 : memref<1x128xf32, #tpu.memory_space<vmem>> -> memref<128xf32, #tpu.memory_space<vmem>>
      %dma_start3A_135 = arith.constant 0 : i32
      %dma_start3A_136 = tpu.memref_slice %arg5[%add3A_131, %dma_start3A_135] : memref<4096x128xf32, #tpu.memory_space<hbm>> -> memref<1x128xf32, #tpu.memory_space<hbm>>
      %dma_start3A_137 = tpu.memref_squeeze %dma_start3A_136 : memref<1x128xf32, #tpu.memory_space<hbm>> -> memref<128xf32, #tpu.memory_space<hbm>>
      %dma_start3A_138 = arith.constant 0 : i32
      %dma_start3A_139 = tpu.memref_slice %arg5[%add3A_131, %dma_start3A_138] : memref<4096x128xf32, #tpu.memory_space<hbm>> -> memref<1x128xf32, #tpu.memory_space<hbm>>
      %dma_start3A_140 = tpu.memref_squeeze %dma_start3A_139 : memref<1x128xf32, #tpu.memory_space<hbm>> -> memref<128xf32, #tpu.memory_space<hbm>>
      %dma_start3A_141 = arith.constant 0 : i32
      %dma_start3A_142 = tpu.memref_slice %arg8[%squeeze3A_126, %dma_start3A_141] : memref<10x128xf32, #tpu.memory_space<vmem>> -> memref<1x128xf32, #tpu.memory_space<vmem>>
      %dma_start3A_143 = tpu.memref_squeeze %dma_start3A_142 : memref<1x128xf32, #tpu.memory_space<vmem>> -> memref<128xf32, #tpu.memory_space<vmem>>
      tpu.enqueue_dma source(%dma_start3A_143 : memref<128xf32, #tpu.memory_space<vmem>>) target(%dma_start3A_140 : memref<128xf32, #tpu.memory_space<hbm>>) target_semaphore(%arg9 : memref<!tpu.dma_semaphore, #tpu.memory_space<semaphore_mem>>)
      %slice3A_144 = vector.extract_strided_slice %get3A_32 {offsets = [6], sizes = [1], strides = [1]} : vector<16xi32> to vector<1xi32>
      %squeeze3A_145 = vector.extract %slice3A_144[0] : i32 from vector<1xi32>
      %mul3A_146 = arith.constant 16 : i32
      %mul3A_147 = arith.muli %scan3A_26, %mul3A_146 : i32
      %add3A_148 = arith.constant 6 : i32
      %add3A_149 = arith.addi %mul3A_147, %add3A_148 : i32
      %add3A_150 = arith.addi %mul3A_10, %add3A_149 : i32
      %dma_start3A_151 = arith.constant 0 : i32
      %dma_start3A_152 = tpu.memref_slice %arg8[%squeeze3A_145, %dma_start3A_151] : memref<10x128xf32, #tpu.memory_space<vmem>> -> memref<1x128xf32, #tpu.memory_space<vmem>>
      %dma_start3A_153 = tpu.memref_squeeze %dma_start3A_152 : memref<1x128xf32, #tpu.memory_space<vmem>> -> memref<128xf32, #tpu.memory_space<vmem>>
      %dma_start3A_154 = arith.constant 0 : i32
      %dma_start3A_155 = tpu.memref_slice %arg5[%add3A_150, %dma_start3A_154] : memref<4096x128xf32, #tpu.memory_space<hbm>> -> memref<1x128xf32, #tpu.memory_space<hbm>>
      %dma_start3A_156 = tpu.memref_squeeze %dma_start3A_155 : memref<1x128xf32, #tpu.memory_space<hbm>> -> memref<128xf32, #tpu.memory_space<hbm>>
      %dma_start3A_157 = arith.constant 0 : i32
      %dma_start3A_158 = tpu.memref_slice %arg5[%add3A_150, %dma_start3A_157] : memref<4096x128xf32, #tpu.memory_space<hbm>> -> memref<1x128xf32, #tpu.memory_space<hbm>>
      %dma_start3A_159 = tpu.memref_squeeze %dma_start3A_158 : memref<1x128xf32, #tpu.memory_space<hbm>> -> memref<128xf32, #tpu.memory_space<hbm>>
      %dma_start3A_160 = arith.constant 0 : i32
      %dma_start3A_161 = tpu.memref_slice %arg8[%squeeze3A_145, %dma_start3A_160] : memref<10x128xf32, #tpu.memory_space<vmem>> -> memref<1x128xf32, #tpu.memory_space<vmem>>
      %dma_start3A_162 = tpu.memref_squeeze %dma_start3A_161 : memref<1x128xf32, #tpu.memory_space<vmem>> -> memref<128xf32, #tpu.memory_space<vmem>>
      tpu.enqueue_dma source(%dma_start3A_162 : memref<128xf32, #tpu.memory_space<vmem>>) target(%dma_start3A_159 : memref<128xf32, #tpu.memory_space<hbm>>) target_semaphore(%arg9 : memref<!tpu.dma_semaphore, #tpu.memory_space<semaphore_mem>>)
      %slice3A_163 = vector.extract_strided_slice %get3A_32 {offsets = [7], sizes = [1], strides = [1]} : vector<16xi32> to vector<1xi32>
      %squeeze3A_164 = vector.extract %slice3A_163[0] : i32 from vector<1xi32>
      %mul3A_165 = arith.constant 16 : i32
      %mul3A_166 = arith.muli %scan3A_26, %mul3A_165 : i32
      %add3A_167 = arith.constant 7 : i32
      %add3A_168 = arith.addi %mul3A_166, %add3A_167 : i32
      %add3A_169 = arith.addi %mul3A_10, %add3A_168 : i32
      %dma_start3A_170 = arith.constant 0 : i32
      %dma_start3A_171 = tpu.memref_slice %arg8[%squeeze3A_164, %dma_start3A_170] : memref<10x128xf32, #tpu.memory_space<vmem>> -> memref<1x128xf32, #tpu.memory_space<vmem>>
      %dma_start3A_172 = tpu.memref_squeeze %dma_start3A_171 : memref<1x128xf32, #tpu.memory_space<vmem>> -> memref<128xf32, #tpu.memory_space<vmem>>
      %dma_start3A_173 = arith.constant 0 : i32
      %dma_start3A_174 = tpu.memref_slice %arg5[%add3A_169, %dma_start3A_173] : memref<4096x128xf32, #tpu.memory_space<hbm>> -> memref<1x128xf32, #tpu.memory_space<hbm>>
      %dma_start3A_175 = tpu.memref_squeeze %dma_start3A_174 : memref<1x128xf32, #tpu.memory_space<hbm>> -> memref<128xf32, #tpu.memory_space<hbm>>
      %dma_start3A_176 = arith.constant 0 : i32
      %dma_start3A_177 = tpu.memref_slice %arg5[%add3A_169, %dma_start3A_176] : memref<4096x128xf32, #tpu.memory_space<hbm>> -> memref<1x128xf32, #tpu.memory_space<hbm>>
      %dma_start3A_178 = tpu.memref_squeeze %dma_start3A_177 : memref<1x128xf32, #tpu.memory_space<hbm>> -> memref<128xf32, #tpu.memory_space<hbm>>
      %dma_start3A_179 = arith.constant 0 : i32
      %dma_start3A_180 = tpu.memref_slice %arg8[%squeeze3A_164, %dma_start3A_179] : memref<10x128xf32, #tpu.memory_space<vmem>> -> memref<1x128xf32, #tpu.memory_space<vmem>>
      %dma_start3A_181 = tpu.memref_squeeze %dma_start3A_180 : memref<1x128xf32, #tpu.memory_space<vmem>> -> memref<128xf32, #tpu.memory_space<vmem>>
      tpu.enqueue_dma source(%dma_start3A_181 : memref<128xf32, #tpu.memory_space<vmem>>) target(%dma_start3A_178 : memref<128xf32, #tpu.memory_space<hbm>>) target_semaphore(%arg9 : memref<!tpu.dma_semaphore, #tpu.memory_space<semaphore_mem>>)
      %slice3A_182 = vector.extract_strided_slice %get3A_32 {offsets = [8], sizes = [1], strides = [1]} : vector<16xi32> to vector<1xi32>
      %squeeze3A_183 = vector.extract %slice3A_182[0] : i32 from vector<1xi32>
      %mul3A_184 = arith.constant 16 : i32
      %mul3A_185 = arith.muli %scan3A_26, %mul3A_184 : i32
      %add3A_186 = arith.constant 8 : i32
      %add3A_187 = arith.addi %mul3A_185, %add3A_186 : i32
      %add3A_188 = arith.addi %mul3A_10, %add3A_187 : i32
      %dma_start3A_189 = arith.constant 0 : i32
      %dma_start3A_190 = tpu.memref_slice %arg8[%squeeze3A_183, %dma_start3A_189] : memref<10x128xf32, #tpu.memory_space<vmem>> -> memref<1x128xf32, #tpu.memory_space<vmem>>
      %dma_start3A_191 = tpu.memref_squeeze %dma_start3A_190 : memref<1x128xf32, #tpu.memory_space<vmem>> -> memref<128xf32, #tpu.memory_space<vmem>>
      %dma_start3A_192 = arith.constant 0 : i32
      %dma_start3A_193 = tpu.memref_slice %arg5[%add3A_188, %dma_start3A_192] : memref<4096x128xf32, #tpu.memory_space<hbm>> -> memref<1x128xf32, #tpu.memory_space<hbm>>
      %dma_start3A_194 = tpu.memref_squeeze %dma_start3A_193 : memref<1x128xf32, #tpu.memory_space<hbm>> -> memref<128xf32, #tpu.memory_space<hbm>>
      %dma_start3A_195 = arith.constant 0 : i32
      %dma_start3A_196 = tpu.memref_slice %arg5[%add3A_188, %dma_start3A_195] : memref<4096x128xf32, #tpu.memory_space<hbm>> -> memref<1x128xf32, #tpu.memory_space<hbm>>
      %dma_start3A_197 = tpu.memref_squeeze %dma_start3A_196 : memref<1x128xf32, #tpu.memory_space<hbm>> -> memref<128xf32, #tpu.memory_space<hbm>>
      %dma_start3A_198 = arith.constant 0 : i32
      %dma_start3A_199 = tpu.memref_slice %arg8[%squeeze3A_183, %dma_start3A_198] : memref<10x128xf32, #tpu.memory_space<vmem>> -> memref<1x128xf32, #tpu.memory_space<vmem>>
      %dma_start3A_200 = tpu.memref_squeeze %dma_start3A_199 : memref<1x128xf32, #tpu.memory_space<vmem>> -> memref<128xf32, #tpu.memory_space<vmem>>
      tpu.enqueue_dma source(%dma_start3A_200 : memref<128xf32, #tpu.memory_space<vmem>>) target(%dma_start3A_197 : memref<128xf32, #tpu.memory_space<hbm>>) target_semaphore(%arg9 : memref<!tpu.dma_semaphore, #tpu.memory_space<semaphore_mem>>)
      %slice3A_201 = vector.extract_strided_slice %get3A_32 {offsets = [9], sizes = [1], strides = [1]} : vector<16xi32> to vector<1xi32>
      %squeeze3A_202 = vector.extract %slice3A_201[0] : i32 from vector<1xi32>
      %mul3A_203 = arith.constant 16 : i32
      %mul3A_204 = arith.muli %scan3A_26, %mul3A_203 : i32
      %add3A_205 = arith.constant 9 : i32
      %add3A_206 = arith.addi %mul3A_204, %add3A_205 : i32
      %add3A_207 = arith.addi %mul3A_10, %add3A_206 : i32
      %dma_start3A_208 = arith.constant 0 : i32
      %dma_start3A_209 = tpu.memref_slice %arg8[%squeeze3A_202, %dma_start3A_208] : memref<10x128xf32, #tpu.memory_space<vmem>> -> memref<1x128xf32, #tpu.memory_space<vmem>>
      %dma_start3A_210 = tpu.memref_squeeze %dma_start3A_209 : memref<1x128xf32, #tpu.memory_space<vmem>> -> memref<128xf32, #tpu.memory_space<vmem>>
      %dma_start3A_211 = arith.constant 0 : i32
      %dma_start3A_212 = tpu.memref_slice %arg5[%add3A_207, %dma_start3A_211] : memref<4096x128xf32, #tpu.memory_space<hbm>> -> memref<1x128xf32, #tpu.memory_space<hbm>>
      %dma_start3A_213 = tpu.memref_squeeze %dma_start3A_212 : memref<1x128xf32, #tpu.memory_space<hbm>> -> memref<128xf32, #tpu.memory_space<hbm>>
      %dma_start3A_214 = arith.constant 0 : i32
      %dma_start3A_215 = tpu.memref_slice %arg5[%add3A_207, %dma_start3A_214] : memref<4096x128xf32, #tpu.memory_space<hbm>> -> memref<1x128xf32, #tpu.memory_space<hbm>>
      %dma_start3A_216 = tpu.memref_squeeze %dma_start3A_215 : memref<1x128xf32, #tpu.memory_space<hbm>> -> memref<128xf32, #tpu.memory_space<hbm>>
      %dma_start3A_217 = arith.constant 0 : i32
      %dma_start3A_218 = tpu.memref_slice %arg8[%squeeze3A_202, %dma_start3A_217] : memref<10x128xf32, #tpu.memory_space<vmem>> -> memref<1x128xf32, #tpu.memory_space<vmem>>
      %dma_start3A_219 = tpu.memref_squeeze %dma_start3A_218 : memref<1x128xf32, #tpu.memory_space<vmem>> -> memref<128xf32, #tpu.memory_space<vmem>>
      tpu.enqueue_dma source(%dma_start3A_219 : memref<128xf32, #tpu.memory_space<vmem>>) target(%dma_start3A_216 : memref<128xf32, #tpu.memory_space<hbm>>) target_semaphore(%arg9 : memref<!tpu.dma_semaphore, #tpu.memory_space<semaphore_mem>>)
      %slice3A_220 = vector.extract_strided_slice %get3A_32 {offsets = [10], sizes = [1], strides = [1]} : vector<16xi32> to vector<1xi32>
      %squeeze3A_221 = vector.extract %slice3A_220[0] : i32 from vector<1xi32>
      %mul3A_222 = arith.constant 16 : i32
      %mul3A_223 = arith.muli %scan3A_26, %mul3A_222 : i32
      %add3A_224 = arith.constant 10 : i32
      %add3A_225 = arith.addi %mul3A_223, %add3A_224 : i32
      %add3A_226 = arith.addi %mul3A_10, %add3A_225 : i32
      %dma_start3A_227 = arith.constant 0 : i32
      %dma_start3A_228 = tpu.memref_slice %arg8[%squeeze3A_221, %dma_start3A_227] : memref<10x128xf32, #tpu.memory_space<vmem>> -> memref<1x128xf32, #tpu.memory_space<vmem>>
      %dma_start3A_229 = tpu.memref_squeeze %dma_start3A_228 : memref<1x128xf32, #tpu.memory_space<vmem>> -> memref<128xf32, #tpu.memory_space<vmem>>
      %dma_start3A_230 = arith.constant 0 : i32
      %dma_start3A_231 = tpu.memref_slice %arg5[%add3A_226, %dma_start3A_230] : memref<4096x128xf32, #tpu.memory_space<hbm>> -> memref<1x128xf32, #tpu.memory_space<hbm>>
      %dma_start3A_232 = tpu.memref_squeeze %dma_start3A_231 : memref<1x128xf32, #tpu.memory_space<hbm>> -> memref<128xf32, #tpu.memory_space<hbm>>
      %dma_start3A_233 = arith.constant 0 : i32
      %dma_start3A_234 = tpu.memref_slice %arg5[%add3A_226, %dma_start3A_233] : memref<4096x128xf32, #tpu.memory_space<hbm>> -> memref<1x128xf32, #tpu.memory_space<hbm>>
      %dma_start3A_235 = tpu.memref_squeeze %dma_start3A_234 : memref<1x128xf32, #tpu.memory_space<hbm>> -> memref<128xf32, #tpu.memory_space<hbm>>
      %dma_start3A_236 = arith.constant 0 : i32
      %dma_start3A_237 = tpu.memref_slice %arg8[%squeeze3A_221, %dma_start3A_236] : memref<10x128xf32, #tpu.memory_space<vmem>> -> memref<1x128xf32, #tpu.memory_space<vmem>>
      %dma_start3A_238 = tpu.memref_squeeze %dma_start3A_237 : memref<1x128xf32, #tpu.memory_space<vmem>> -> memref<128xf32, #tpu.memory_space<vmem>>
      tpu.enqueue_dma source(%dma_start3A_238 : memref<128xf32, #tpu.memory_space<vmem>>) target(%dma_start3A_235 : memref<128xf32, #tpu.memory_space<hbm>>) target_semaphore(%arg9 : memref<!tpu.dma_semaphore, #tpu.memory_space<semaphore_mem>>)
      %slice3A_239 = vector.extract_strided_slice %get3A_32 {offsets = [11], sizes = [1], strides = [1]} : vector<16xi32> to vector<1xi32>
      %squeeze3A_240 = vector.extract %slice3A_239[0] : i32 from vector<1xi32>
      %mul3A_241 = arith.constant 16 : i32
      %mul3A_242 = arith.muli %scan3A_26, %mul3A_241 : i32
      %add3A_243 = arith.constant 11 : i32
      %add3A_244 = arith.addi %mul3A_242, %add3A_243 : i32
      %add3A_245 = arith.addi %mul3A_10, %add3A_244 : i32
      %dma_start3A_246 = arith.constant 0 : i32
      %dma_start3A_247 = tpu.memref_slice %arg8[%squeeze3A_240, %dma_start3A_246] : memref<10x128xf32, #tpu.memory_space<vmem>> -> memref<1x128xf32, #tpu.memory_space<vmem>>
      %dma_start3A_248 = tpu.memref_squeeze %dma_start3A_247 : memref<1x128xf32, #tpu.memory_space<vmem>> -> memref<128xf32, #tpu.memory_space<vmem>>
      %dma_start3A_249 = arith.constant 0 : i32
      %dma_start3A_250 = tpu.memref_slice %arg5[%add3A_245, %dma_start3A_249] : memref<4096x128xf32, #tpu.memory_space<hbm>> -> memref<1x128xf32, #tpu.memory_space<hbm>>
      %dma_start3A_251 = tpu.memref_squeeze %dma_start3A_250 : memref<1x128xf32, #tpu.memory_space<hbm>> -> memref<128xf32, #tpu.memory_space<hbm>>
      %dma_start3A_252 = arith.constant 0 : i32
      %dma_start3A_253 = tpu.memref_slice %arg5[%add3A_245, %dma_start3A_252] : memref<4096x128xf32, #tpu.memory_space<hbm>> -> memref<1x128xf32, #tpu.memory_space<hbm>>
      %dma_start3A_254 = tpu.memref_squeeze %dma_start3A_253 : memref<1x128xf32, #tpu.memory_space<hbm>> -> memref<128xf32, #tpu.memory_space<hbm>>
      %dma_start3A_255 = arith.constant 0 : i32
      %dma_start3A_256 = tpu.memref_slice %arg8[%squeeze3A_240, %dma_start3A_255] : memref<10x128xf32, #tpu.memory_space<vmem>> -> memref<1x128xf32, #tpu.memory_space<vmem>>
      %dma_start3A_257 = tpu.memref_squeeze %dma_start3A_256 : memref<1x128xf32, #tpu.memory_space<vmem>> -> memref<128xf32, #tpu.memory_space<vmem>>
      tpu.enqueue_dma source(%dma_start3A_257 : memref<128xf32, #tpu.memory_space<vmem>>) target(%dma_start3A_254 : memref<128xf32, #tpu.memory_space<hbm>>) target_semaphore(%arg9 : memref<!tpu.dma_semaphore, #tpu.memory_space<semaphore_mem>>)
      %slice3A_258 = vector.extract_strided_slice %get3A_32 {offsets = [12], sizes = [1], strides = [1]} : vector<16xi32> to vector<1xi32>
      %squeeze3A_259 = vector.extract %slice3A_258[0] : i32 from vector<1xi32>
      %mul3A_260 = arith.constant 16 : i32
      %mul3A_261 = arith.muli %scan3A_26, %mul3A_260 : i32
      %add3A_262 = arith.constant 12 : i32
      %add3A_263 = arith.addi %mul3A_261, %add3A_262 : i32
      %add3A_264 = arith.addi %mul3A_10, %add3A_263 : i32
      %dma_start3A_265 = arith.constant 0 : i32
      %dma_start3A_266 = tpu.memref_slice %arg8[%squeeze3A_259, %dma_start3A_265] : memref<10x128xf32, #tpu.memory_space<vmem>> -> memref<1x128xf32, #tpu.memory_space<vmem>>
      %dma_start3A_267 = tpu.memref_squeeze %dma_start3A_266 : memref<1x128xf32, #tpu.memory_space<vmem>> -> memref<128xf32, #tpu.memory_space<vmem>>
      %dma_start3A_268 = arith.constant 0 : i32
      %dma_start3A_269 = tpu.memref_slice %arg5[%add3A_264, %dma_start3A_268] : memref<4096x128xf32, #tpu.memory_space<hbm>> -> memref<1x128xf32, #tpu.memory_space<hbm>>
      %dma_start3A_270 = tpu.memref_squeeze %dma_start3A_269 : memref<1x128xf32, #tpu.memory_space<hbm>> -> memref<128xf32, #tpu.memory_space<hbm>>
      %dma_start3A_271 = arith.constant 0 : i32
      %dma_start3A_272 = tpu.memref_slice %arg5[%add3A_264, %dma_start3A_271] : memref<4096x128xf32, #tpu.memory_space<hbm>> -> memref<1x128xf32, #tpu.memory_space<hbm>>
      %dma_start3A_273 = tpu.memref_squeeze %dma_start3A_272 : memref<1x128xf32, #tpu.memory_space<hbm>> -> memref<128xf32, #tpu.memory_space<hbm>>
      %dma_start3A_274 = arith.constant 0 : i32
      %dma_start3A_275 = tpu.memref_slice %arg8[%squeeze3A_259, %dma_start3A_274] : memref<10x128xf32, #tpu.memory_space<vmem>> -> memref<1x128xf32, #tpu.memory_space<vmem>>
      %dma_start3A_276 = tpu.memref_squeeze %dma_start3A_275 : memref<1x128xf32, #tpu.memory_space<vmem>> -> memref<128xf32, #tpu.memory_space<vmem>>
      tpu.enqueue_dma source(%dma_start3A_276 : memref<128xf32, #tpu.memory_space<vmem>>) target(%dma_start3A_273 : memref<128xf32, #tpu.memory_space<hbm>>) target_semaphore(%arg9 : memref<!tpu.dma_semaphore, #tpu.memory_space<semaphore_mem>>)
      %slice3A_277 = vector.extract_strided_slice %get3A_32 {offsets = [13], sizes = [1], strides = [1]} : vector<16xi32> to vector<1xi32>
      %squeeze3A_278 = vector.extract %slice3A_277[0] : i32 from vector<1xi32>
      %mul3A_279 = arith.constant 16 : i32
      %mul3A_280 = arith.muli %scan3A_26, %mul3A_279 : i32
      %add3A_281 = arith.constant 13 : i32
      %add3A_282 = arith.addi %mul3A_280, %add3A_281 : i32
      %add3A_283 = arith.addi %mul3A_10, %add3A_282 : i32
      %dma_start3A_284 = arith.constant 0 : i32
      %dma_start3A_285 = tpu.memref_slice %arg8[%squeeze3A_278, %dma_start3A_284] : memref<10x128xf32, #tpu.memory_space<vmem>> -> memref<1x128xf32, #tpu.memory_space<vmem>>
      %dma_start3A_286 = tpu.memref_squeeze %dma_start3A_285 : memref<1x128xf32, #tpu.memory_space<vmem>> -> memref<128xf32, #tpu.memory_space<vmem>>
      %dma_start3A_287 = arith.constant 0 : i32
      %dma_start3A_288 = tpu.memref_slice %arg5[%add3A_283, %dma_start3A_287] : memref<4096x128xf32, #tpu.memory_space<hbm>> -> memref<1x128xf32, #tpu.memory_space<hbm>>
      %dma_start3A_289 = tpu.memref_squeeze %dma_start3A_288 : memref<1x128xf32, #tpu.memory_space<hbm>> -> memref<128xf32, #tpu.memory_space<hbm>>
      %dma_start3A_290 = arith.constant 0 : i32
      %dma_start3A_291 = tpu.memref_slice %arg5[%add3A_283, %dma_start3A_290] : memref<4096x128xf32, #tpu.memory_space<hbm>> -> memref<1x128xf32, #tpu.memory_space<hbm>>
      %dma_start3A_292 = tpu.memref_squeeze %dma_start3A_291 : memref<1x128xf32, #tpu.memory_space<hbm>> -> memref<128xf32, #tpu.memory_space<hbm>>
      %dma_start3A_293 = arith.constant 0 : i32
      %dma_start3A_294 = tpu.memref_slice %arg8[%squeeze3A_278, %dma_start3A_293] : memref<10x128xf32, #tpu.memory_space<vmem>> -> memref<1x128xf32, #tpu.memory_space<vmem>>
      %dma_start3A_295 = tpu.memref_squeeze %dma_start3A_294 : memref<1x128xf32, #tpu.memory_space<vmem>> -> memref<128xf32, #tpu.memory_space<vmem>>
      tpu.enqueue_dma source(%dma_start3A_295 : memref<128xf32, #tpu.memory_space<vmem>>) target(%dma_start3A_292 : memref<128xf32, #tpu.memory_space<hbm>>) target_semaphore(%arg9 : memref<!tpu.dma_semaphore, #tpu.memory_space<semaphore_mem>>)
      %slice3A_296 = vector.extract_strided_slice %get3A_32 {offsets = [14], sizes = [1], strides = [1]} : vector<16xi32> to vector<1xi32>
      %squeeze3A_297 = vector.extract %slice3A_296[0] : i32 from vector<1xi32>
      %mul3A_298 = arith.constant 16 : i32
      %mul3A_299 = arith.muli %scan3A_26, %mul3A_298 : i32
      %add3A_300 = arith.constant 14 : i32
      %add3A_301 = arith.addi %mul3A_299, %add3A_300 : i32
      %add3A_302 = arith.addi %mul3A_10, %add3A_301 : i32
      %dma_start3A_303 = arith.constant 0 : i32
      %dma_start3A_304 = tpu.memref_slice %arg8[%squeeze3A_297, %dma_start3A_303] : memref<10x128xf32, #tpu.memory_space<vmem>> -> memref<1x128xf32, #tpu.memory_space<vmem>>
      %dma_start3A_305 = tpu.memref_squeeze %dma_start3A_304 : memref<1x128xf32, #tpu.memory_space<vmem>> -> memref<128xf32, #tpu.memory_space<vmem>>
      %dma_start3A_306 = arith.constant 0 : i32
      %dma_start3A_307 = tpu.memref_slice %arg5[%add3A_302, %dma_start3A_306] : memref<4096x128xf32, #tpu.memory_space<hbm>> -> memref<1x128xf32, #tpu.memory_space<hbm>>
      %dma_start3A_308 = tpu.memref_squeeze %dma_start3A_307 : memref<1x128xf32, #tpu.memory_space<hbm>> -> memref<128xf32, #tpu.memory_space<hbm>>
      %dma_start3A_309 = arith.constant 0 : i32
      %dma_start3A_310 = tpu.memref_slice %arg5[%add3A_302, %dma_start3A_309] : memref<4096x128xf32, #tpu.memory_space<hbm>> -> memref<1x128xf32, #tpu.memory_space<hbm>>
      %dma_start3A_311 = tpu.memref_squeeze %dma_start3A_310 : memref<1x128xf32, #tpu.memory_space<hbm>> -> memref<128xf32, #tpu.memory_space<hbm>>
      %dma_start3A_312 = arith.constant 0 : i32
      %dma_start3A_313 = tpu.memref_slice %arg8[%squeeze3A_297, %dma_start3A_312] : memref<10x128xf32, #tpu.memory_space<vmem>> -> memref<1x128xf32, #tpu.memory_space<vmem>>
      %dma_start3A_314 = tpu.memref_squeeze %dma_start3A_313 : memref<1x128xf32, #tpu.memory_space<vmem>> -> memref<128xf32, #tpu.memory_space<vmem>>
      tpu.enqueue_dma source(%dma_start3A_314 : memref<128xf32, #tpu.memory_space<vmem>>) target(%dma_start3A_311 : memref<128xf32, #tpu.memory_space<hbm>>) target_semaphore(%arg9 : memref<!tpu.dma_semaphore, #tpu.memory_space<semaphore_mem>>)
      %slice3A_315 = vector.extract_strided_slice %get3A_32 {offsets = [15], sizes = [1], strides = [1]} : vector<16xi32> to vector<1xi32>
      %squeeze3A_316 = vector.extract %slice3A_315[0] : i32 from vector<1xi32>
      %mul3A_317 = arith.constant 16 : i32
      %mul3A_318 = arith.muli %scan3A_26, %mul3A_317 : i32
      %add3A_319 = arith.constant 15 : i32
      %add3A_320 = arith.addi %mul3A_318, %add3A_319 : i32
      %add3A_321 = arith.addi %mul3A_10, %add3A_320 : i32
      %dma_start3A_322 = arith.constant 0 : i32
      %dma_start3A_323 = tpu.memref_slice %arg8[%squeeze3A_316, %dma_start3A_322] : memref<10x128xf32, #tpu.memory_space<vmem>> -> memref<1x128xf32, #tpu.memory_space<vmem>>
      %dma_start3A_324 = tpu.memref_squeeze %dma_start3A_323 : memref<1x128xf32, #tpu.memory_space<vmem>> -> memref<128xf32, #tpu.memory_space<vmem>>
      %dma_start3A_325 = arith.constant 0 : i32
      %dma_start3A_326 = tpu.memref_slice %arg5[%add3A_321, %dma_start3A_325] : memref<4096x128xf32, #tpu.memory_space<hbm>> -> memref<1x128xf32, #tpu.memory_space<hbm>>
      %dma_start3A_327 = tpu.memref_squeeze %dma_start3A_326 : memref<1x128xf32, #tpu.memory_space<hbm>> -> memref<128xf32, #tpu.memory_space<hbm>>
      %dma_start3A_328 = arith.constant 0 : i32
      %dma_start3A_329 = tpu.memref_slice %arg5[%add3A_321, %dma_start3A_328] : memref<4096x128xf32, #tpu.memory_space<hbm>> -> memref<1x128xf32, #tpu.memory_space<hbm>>
      %dma_start3A_330 = tpu.memref_squeeze %dma_start3A_329 : memref<1x128xf32, #tpu.memory_space<hbm>> -> memref<128xf32, #tpu.memory_space<hbm>>
      %dma_start3A_331 = arith.constant 0 : i32
      %dma_start3A_332 = tpu.memref_slice %arg8[%squeeze3A_316, %dma_start3A_331] : memref<10x128xf32, #tpu.memory_space<vmem>> -> memref<1x128xf32, #tpu.memory_space<vmem>>
      %dma_start3A_333 = tpu.memref_squeeze %dma_start3A_332 : memref<1x128xf32, #tpu.memory_space<vmem>> -> memref<128xf32, #tpu.memory_space<vmem>>
      tpu.enqueue_dma source(%dma_start3A_333 : memref<128xf32, #tpu.memory_space<vmem>>) target(%dma_start3A_330 : memref<128xf32, #tpu.memory_space<hbm>>) target_semaphore(%arg9 : memref<!tpu.dma_semaphore, #tpu.memory_space<semaphore_mem>>)
      %scan3A_334 = arith.constant 0 : i32
      scf.yield %scan3A_334 : i32
    }
    %scan3A_17 = arith.constant 8 : i32
    %scan3A_18 = arith.constant 0 : i32
    %scan3A_19 = arith.constant 0 : i32
    %scan3A_20 = arith.constant 0 : i32
    %scan3A_21 = arith.constant 128 : i32
    %scan3A_22 = arith.addi %scan3A_20, %scan3A_21 : i32
    %scan3A_23 = arith.constant 1 : i32
    %scan3A_24 = scf.for %scan3A_26 = %scan3A_20 to %scan3A_22 step %scan3A_23 iter_args(%scan3A_27 = %scan3A_19) -> (i32)  : i32 {
      %dma_wait3A = arith.constant 0 : i32
      %dma_wait3A_28 = tpu.memref_slice %arg8[%scan3A_18, %dma_wait3A] : memref<10x128xf32, #tpu.memory_space<vmem>> -> memref<1x128xf32, #tpu.memory_space<vmem>>
      %dma_wait3A_29 = tpu.memref_squeeze %dma_wait3A_28 : memref<1x128xf32, #tpu.memory_space<vmem>> -> memref<128xf32, #tpu.memory_space<vmem>>
      %dma_wait3A_30 = arith.constant 0 : i32
      %dma_wait3A_31 = tpu.memref_slice %arg5[%mul3A_10, %dma_wait3A_30] : memref<4096x128xf32, #tpu.memory_space<hbm>> -> memref<1x128xf32, #tpu.memory_space<hbm>>
      %dma_wait3A_32 = tpu.memref_squeeze %dma_wait3A_31 : memref<1x128xf32, #tpu.memory_space<hbm>> -> memref<128xf32, #tpu.memory_space<hbm>>
      %dma_wait3A_33 = arith.constant 0 : i32
      %dma_wait3A_34 = tpu.memref_slice %arg5[%mul3A_10, %dma_wait3A_33] : memref<4096x128xf32, #tpu.memory_space<hbm>> -> memref<1x128xf32, #tpu.memory_space<hbm>>
      %dma_wait3A_35 = tpu.memref_squeeze %dma_wait3A_34 : memref<1x128xf32, #tpu.memory_space<hbm>> -> memref<128xf32, #tpu.memory_space<hbm>>
      %dma_wait3A_36 = arith.constant 0 : i32
      %dma_wait3A_37 = tpu.memref_slice %arg8[%scan3A_18, %dma_wait3A_36] : memref<10x128xf32, #tpu.memory_space<vmem>> -> memref<1x128xf32, #tpu.memory_space<vmem>>
      %dma_wait3A_38 = tpu.memref_squeeze %dma_wait3A_37 : memref<1x128xf32, #tpu.memory_space<vmem>> -> memref<128xf32, #tpu.memory_space<vmem>>
      tpu.wait_dma2 semaphore(%arg9 : memref<!tpu.dma_semaphore, #tpu.memory_space<semaphore_mem>>) src(%dma_wait3A_38 : memref<128xf32, #tpu.memory_space<vmem>>) dst(%dma_wait3A_35 : memref<128xf32, #tpu.memory_space<hbm>>)
      %scan3A_39 = arith.constant 0 : i32
      scf.yield %scan3A_39 : i32
    }
    %scan3A_25 = arith.constant 128 : i32
    return
  }
}

module attributes {stable_mosaic.version = 14 : i64} {
  func.func @_tc_kernel(%arg0: i32, %arg1: memref<1xf32, #tpu.memory_space<smem>>, %arg2: memref<4096xi32, #tpu.memory_space<vmem>>, %arg3: memref<10x128xf32, #tpu.memory_space<vmem>>, %arg4: memref<10x128xf32, #tpu.memory_space<vmem>>, %arg5: memref<10x2048xf32, #tpu.memory_space<vmem>>, %arg6: memref<10x2048xf32, #tpu.memory_space<vmem>>, %arg7: memref<10x2048xf32, #tpu.memory_space<vmem>>, %arg8: memref<256x128xf32, #tpu.memory_space<vmem>>, %arg9: memref<256x128xf32, #tpu.memory_space<vmem>>, %arg10: memref<256x2048xf32, #tpu.memory_space<vmem>>, %arg11: memref<256x2048xf32, #tpu.memory_space<vmem>>, %arg12: memref<256x2048xf32, #tpu.memory_space<vmem>>) attributes {dimension_semantics = [#tpu.dimension_semantics<arbitrary>], iteration_bounds = array<i64: 16>, scalar_prefetch = 0 : i64, scratch_operands = 0 : i64, tpu.core_type = #tpu.core_type<tc>, window_params = [{transform_indices = @transform_0, window_bounds = array<i64: 1>}, {pipeline_mode = #tpu.pipeline_mode<synchronous>, transform_indices = @transform_1, window_bounds = array<i64: 4096>}, {pipeline_mode = #tpu.pipeline_mode<synchronous>, transform_indices = @transform_2, window_bounds = array<i64: 10, 128>}, {pipeline_mode = #tpu.pipeline_mode<synchronous>, transform_indices = @transform_3, window_bounds = array<i64: 10, 128>}, {pipeline_mode = #tpu.pipeline_mode<synchronous>, transform_indices = @transform_4, window_bounds = array<i64: 10, 2048>}, {pipeline_mode = #tpu.pipeline_mode<synchronous>, transform_indices = @transform_5, window_bounds = array<i64: 10, 2048>}, {pipeline_mode = #tpu.pipeline_mode<synchronous>, transform_indices = @transform_6, window_bounds = array<i64: 10, 2048>}, {transform_indices = @transform_7, window_bounds = array<i64: 256, 128>}, {transform_indices = @transform_8, window_bounds = array<i64: 256, 128>}, {transform_indices = @transform_9, window_bounds = array<i64: 256, 2048>}, {transform_indices = @transform_10, window_bounds = array<i64: 256, 2048>}, {transform_indices = @transform_11, window_bounds = array<i64: 256, 2048>}]} {
    %get3A = arith.constant 0 : index
    %get3A_0 = memref.load %arg1[%get3A] : memref<1xf32, #tpu.memory_space<smem>>
    %mul3A = arith.constant 256 : i32
    %mul3A_1 = arith.muli %arg0, %mul3A : i32
    %get3A_2 = arith.index_cast %mul3A_1 : i32 to index
    %get3A_3 = vector.load %arg2[%get3A_2] : memref<4096xi32, #tpu.memory_space<vmem>>, vector<256xi32>
    %broadcast_in_dim3A = vector.shape_cast %get3A_3 : vector<256xi32> to vector<256x1xi32>
    %iota3A = tpu.iota {dimensions = array<i32: 1>} : vector<256x10xi32>
    %eq3A = vector.broadcast %broadcast_in_dim3A : vector<256x1xi32> to vector<256x10xi32>
    %eq3A_4 = arith.cmpi eq, %eq3A, %iota3A : vector<256x10xi32>
    %convert_element_type3A = arith.extui %eq3A_4 : vector<256x10xi1> to vector<256x10xi32>
    %convert_element_type3A_5 = arith.sitofp %convert_element_type3A : vector<256x10xi32> to vector<256x10xf32>
    %get3A_6 = arith.constant 0 : index
    %get3A_7 = arith.constant 0 : index
    %get3A_8 = vector.load %arg3[%get3A_6, %get3A_7] : memref<10x128xf32, #tpu.memory_space<vmem>>, vector<10x128xf32>
    %mul3A_9 = vector.broadcast %get3A_0 : f32 to vector<10x128xf32>
    %mul3A_10 = arith.mulf %mul3A_9, %get3A_8 : vector<10x128xf32>
    %logistic3A = arith.negf %mul3A_10 : vector<10x128xf32>
    %logistic3A_11 = math.exp %logistic3A : vector<10x128xf32>
    %logistic3A_12 = arith.constant 1.000000e+00 : f32
    %logistic3A_13 = vector.broadcast %logistic3A_12 : f32 to vector<10x128xf32>
    %logistic3A_14 = arith.addf %logistic3A_13, %logistic3A_11 : vector<10x128xf32>
    %logistic3A_15 = arith.divf %logistic3A_13, %logistic3A_14 : vector<10x128xf32>
    %dot_general3A = arith.constant dense<0.000000e+00> : vector<256x128xf32>
    %dot_general3A_16 = tpu.matmul %convert_element_type3A_5, %logistic3A_15, %dot_general3A {dimension_numbers = #tpu.dot_dimension_numbers<[1], [0], [0], [1], [0, 0, 1, 1], [], []>, transpose_lhs_hint = false} : vector<256x10xf32>, vector<10x128xf32>, vector<256x128xf32> -> vector<256x128xf32>
    %swap3A = arith.constant 0 : index
    %swap3A_17 = arith.constant 0 : index
    %swap3A_18 = vector.load %arg8[%swap3A, %swap3A_17] : memref<256x128xf32, #tpu.memory_space<vmem>>, vector<256x128xf32>
    tpu.vector_store %arg8[%swap3A, %swap3A_17], %dot_general3A_16 {strides = array<i32>} : memref<256x128xf32, #tpu.memory_space<vmem>>, vector<256x128xf32>,
    %get3A_19 = arith.constant 0 : index
    %get3A_20 = arith.constant 0 : index
    %get3A_21 = vector.load %arg4[%get3A_19, %get3A_20] : memref<10x128xf32, #tpu.memory_space<vmem>>, vector<10x128xf32>
    %mul3A_22 = vector.broadcast %get3A_0 : f32 to vector<10x128xf32>
    %mul3A_23 = arith.mulf %mul3A_22, %get3A_21 : vector<10x128xf32>
    %logistic3A_24 = arith.negf %mul3A_23 : vector<10x128xf32>
    %logistic3A_25 = math.exp %logistic3A_24 : vector<10x128xf32>
    %logistic3A_26 = arith.constant 1.000000e+00 : f32
    %logistic3A_27 = vector.broadcast %logistic3A_26 : f32 to vector<10x128xf32>
    %logistic3A_28 = arith.addf %logistic3A_27, %logistic3A_25 : vector<10x128xf32>
    %logistic3A_29 = arith.divf %logistic3A_27, %logistic3A_28 : vector<10x128xf32>
    %dot_general3A_30 = arith.constant dense<0.000000e+00> : vector<256x128xf32>
    %dot_general3A_31 = tpu.matmul %convert_element_type3A_5, %logistic3A_29, %dot_general3A_30 {dimension_numbers = #tpu.dot_dimension_numbers<[1], [0], [0], [1], [0, 0, 1, 1], [], []>, transpose_lhs_hint = false} : vector<256x10xf32>, vector<10x128xf32>, vector<256x128xf32> -> vector<256x128xf32>
    %swap3A_32 = arith.constant 0 : index
    %swap3A_33 = arith.constant 0 : index
    %swap3A_34 = vector.load %arg9[%swap3A_32, %swap3A_33] : memref<256x128xf32, #tpu.memory_space<vmem>>, vector<256x128xf32>
    tpu.vector_store %arg9[%swap3A_32, %swap3A_33], %dot_general3A_31 {strides = array<i32>} : memref<256x128xf32, #tpu.memory_space<vmem>>, vector<256x128xf32>,
    %get3A_35 = arith.constant 0 : index
    %get3A_36 = arith.constant 0 : index
    %get3A_37 = vector.load %arg5[%get3A_35, %get3A_36] : memref<10x2048xf32, #tpu.memory_space<vmem>>, vector<10x2048xf32>
    %mul3A_38 = vector.broadcast %get3A_0 : f32 to vector<10x2048xf32>
    %mul3A_39 = arith.mulf %mul3A_38, %get3A_37 : vector<10x2048xf32>
    %logistic3A_40 = arith.negf %mul3A_39 : vector<10x2048xf32>
    %logistic3A_41 = math.exp %logistic3A_40 : vector<10x2048xf32>
    %logistic3A_42 = arith.constant 1.000000e+00 : f32
    %logistic3A_43 = vector.broadcast %logistic3A_42 : f32 to vector<10x2048xf32>
    %logistic3A_44 = arith.addf %logistic3A_43, %logistic3A_41 : vector<10x2048xf32>
    %logistic3A_45 = arith.divf %logistic3A_43, %logistic3A_44 : vector<10x2048xf32>
    %dot_general3A_46 = arith.constant dense<0.000000e+00> : vector<256x2048xf32>
    %dot_general3A_47 = tpu.matmul %convert_element_type3A_5, %logistic3A_45, %dot_general3A_46 {dimension_numbers = #tpu.dot_dimension_numbers<[1], [0], [0], [1], [0, 0, 1, 1], [], []>, transpose_lhs_hint = false} : vector<256x10xf32>, vector<10x2048xf32>, vector<256x2048xf32> -> vector<256x2048xf32>
    %swap3A_48 = arith.constant 0 : index
    %swap3A_49 = arith.constant 0 : index
    %swap3A_50 = vector.load %arg10[%swap3A_48, %swap3A_49] : memref<256x2048xf32, #tpu.memory_space<vmem>>, vector<256x2048xf32>
    tpu.vector_store %arg10[%swap3A_48, %swap3A_49], %dot_general3A_47 {strides = array<i32>} : memref<256x2048xf32, #tpu.memory_space<vmem>>, vector<256x2048xf32>,
    %get3A_51 = arith.constant 0 : index
    %get3A_52 = arith.constant 0 : index
    %get3A_53 = vector.load %arg6[%get3A_51, %get3A_52] : memref<10x2048xf32, #tpu.memory_space<vmem>>, vector<10x2048xf32>
    %mul3A_54 = vector.broadcast %get3A_0 : f32 to vector<10x2048xf32>
    %mul3A_55 = arith.mulf %mul3A_54, %get3A_53 : vector<10x2048xf32>
    %logistic3A_56 = arith.negf %mul3A_55 : vector<10x2048xf32>
    %logistic3A_57 = math.exp %logistic3A_56 : vector<10x2048xf32>
    %logistic3A_58 = arith.constant 1.000000e+00 : f32
    %logistic3A_59 = vector.broadcast %logistic3A_58 : f32 to vector<10x2048xf32>
    %logistic3A_60 = arith.addf %logistic3A_59, %logistic3A_57 : vector<10x2048xf32>
    %logistic3A_61 = arith.divf %logistic3A_59, %logistic3A_60 : vector<10x2048xf32>
    %dot_general3A_62 = arith.constant dense<0.000000e+00> : vector<256x2048xf32>
    %dot_general3A_63 = tpu.matmul %convert_element_type3A_5, %logistic3A_61, %dot_general3A_62 {dimension_numbers = #tpu.dot_dimension_numbers<[1], [0], [0], [1], [0, 0, 1, 1], [], []>, transpose_lhs_hint = false} : vector<256x10xf32>, vector<10x2048xf32>, vector<256x2048xf32> -> vector<256x2048xf32>
    %swap3A_64 = arith.constant 0 : index
    %swap3A_65 = arith.constant 0 : index
    %swap3A_66 = vector.load %arg11[%swap3A_64, %swap3A_65] : memref<256x2048xf32, #tpu.memory_space<vmem>>, vector<256x2048xf32>
    tpu.vector_store %arg11[%swap3A_64, %swap3A_65], %dot_general3A_63 {strides = array<i32>} : memref<256x2048xf32, #tpu.memory_space<vmem>>, vector<256x2048xf32>,
    %get3A_67 = arith.constant 0 : index
    %get3A_68 = arith.constant 0 : index
    %get3A_69 = vector.load %arg7[%get3A_67, %get3A_68] : memref<10x2048xf32, #tpu.memory_space<vmem>>, vector<10x2048xf32>
    %mul3A_70 = vector.broadcast %get3A_0 : f32 to vector<10x2048xf32>
    %mul3A_71 = arith.mulf %mul3A_70, %get3A_69 : vector<10x2048xf32>
    %logistic3A_72 = arith.negf %mul3A_71 : vector<10x2048xf32>
    %logistic3A_73 = math.exp %logistic3A_72 : vector<10x2048xf32>
    %logistic3A_74 = arith.constant 1.000000e+00 : f32
    %logistic3A_75 = vector.broadcast %logistic3A_74 : f32 to vector<10x2048xf32>
    %logistic3A_76 = arith.addf %logistic3A_75, %logistic3A_73 : vector<10x2048xf32>
    %logistic3A_77 = arith.divf %logistic3A_75, %logistic3A_76 : vector<10x2048xf32>
    %dot_general3A_78 = arith.constant dense<0.000000e+00> : vector<256x2048xf32>
    %dot_general3A_79 = tpu.matmul %convert_element_type3A_5, %logistic3A_77, %dot_general3A_78 {dimension_numbers = #tpu.dot_dimension_numbers<[1], [0], [0], [1], [0, 0, 1, 1], [], []>, transpose_lhs_hint = false} : vector<256x10xf32>, vector<10x2048xf32>, vector<256x2048xf32> -> vector<256x2048xf32>
    %swap3A_80 = arith.constant 0 : index
    %swap3A_81 = arith.constant 0 : index
    %swap3A_82 = vector.load %arg12[%swap3A_80, %swap3A_81] : memref<256x2048xf32, #tpu.memory_space<vmem>>, vector<256x2048xf32>
    tpu.vector_store %arg12[%swap3A_80, %swap3A_81], %dot_general3A_79 {strides = array<i32>} : memref<256x2048xf32, #tpu.memory_space<vmem>>, vector<256x2048xf32>,
    return
  }
  func.func @transform_0(%arg0: i32) -> i32 {
    %c0_i32 = arith.constant 0 : i32
    %c0_i32_0 = arith.constant 0 : i32
    return %c0_i32 : i32
  }
  func.func @transform_1(%arg0: i32) -> i32 {
    %c0_i32 = arith.constant 0 : i32
    %c0_i32_0 = arith.constant 0 : i32
    return %c0_i32 : i32
  }
  func.func @transform_2(%arg0: i32) -> (i32, i32) {
    %c0_i32 = arith.constant 0 : i32
    %c0_i32_0 = arith.constant 0 : i32
    %c0_i32_1 = arith.constant 0 : i32
    return %c0_i32, %c0_i32_0 : i32, i32
  }
  func.func @transform_3(%arg0: i32) -> (i32, i32) {
    %c0_i32 = arith.constant 0 : i32
    %c0_i32_0 = arith.constant 0 : i32
    %c0_i32_1 = arith.constant 0 : i32
    return %c0_i32, %c0_i32_0 : i32, i32
  }
  func.func @transform_4(%arg0: i32) -> (i32, i32) {
    %c0_i32 = arith.constant 0 : i32
    %c0_i32_0 = arith.constant 0 : i32
    %c0_i32_1 = arith.constant 0 : i32
    return %c0_i32, %c0_i32_0 : i32, i32
  }
  func.func @transform_5(%arg0: i32) -> (i32, i32) {
    %c0_i32 = arith.constant 0 : i32
    %c0_i32_0 = arith.constant 0 : i32
    %c0_i32_1 = arith.constant 0 : i32
    return %c0_i32, %c0_i32_0 : i32, i32
  }
  func.func @transform_6(%arg0: i32) -> (i32, i32) {
    %c0_i32 = arith.constant 0 : i32
    %c0_i32_0 = arith.constant 0 : i32
    %c0_i32_1 = arith.constant 0 : i32
    return %c0_i32, %c0_i32_0 : i32, i32
  }
  func.func @transform_7(%arg0: i32) -> (i32, i32) {
    %c0_i32 = arith.constant 0 : i32
    %c0_i32_0 = arith.constant 0 : i32
    return %arg0, %c0_i32 : i32, i32
  }
  func.func @transform_8(%arg0: i32) -> (i32, i32) {
    %c0_i32 = arith.constant 0 : i32
    %c0_i32_0 = arith.constant 0 : i32
    return %arg0, %c0_i32 : i32, i32
  }
  func.func @transform_9(%arg0: i32) -> (i32, i32) {
    %c0_i32 = arith.constant 0 : i32
    %c0_i32_0 = arith.constant 0 : i32
    return %arg0, %c0_i32 : i32, i32
  }
  func.func @transform_10(%arg0: i32) -> (i32, i32) {
    %c0_i32 = arith.constant 0 : i32
    %c0_i32_0 = arith.constant 0 : i32
    return %arg0, %c0_i32 : i32, i32
  }
  func.func @transform_11(%arg0: i32) -> (i32, i32) {
    %c0_i32 = arith.constant 0 : i32
    %c0_i32_0 = arith.constant 0 : i32
    return %arg0, %c0_i32 : i32, i32
  }
}

</mosaic_0001>

<sc_bundles>
// kernel: _run.4.cloned.1.call-start
scs
__scs_entry_jumppad:
0x0: {  	(pc) =	sbr.rel $0x88, $3  }
0x1: {  	(tag) =	ssettag $0x0;
	lr =	simm.s32 $0x1  }
0x2: {  	[smem:$0x3F99] =	sst lr;
	_ =	strace $0xD0000000  }
0x3: {  	_ = 	snop  }
0x4: {  	_ = 	snop  }
0x5: {  	_ = 	snop  }
0x6: {  	_ = 	snop  }
0x7: {  	_ = 	snop  }
__scs_overlays_trampoline_lowered:
0x8: {  	[smem:$0x3FA8] =	sst s0  }
0x9: {  	[smem:$0x3FA9] =	sst s1  }
0xa: {  	[smem:$0x3FAA] =	sst s2  }
0xb: {  	[smem:$0x3FAB] =	sst s3  }
0xc: {  	[smem:$0x3FAC] =	sst s4  }
0xd: {  	[smem:$0x3FAD] =	sst s5  }
0xe: {  	[smem:$0x3FAE] =	sst s6  }
0xf: {  	[smem:$0x3FAF] =	sst s7  }
0x10: {  	[smem:$0x3FB0] =	sst s8  }
0x11: {  	[smem:$0x3FB1] =	sst s9;
	s0 =	simm.s32 @!p0 $0x0  }
0x12: {  	s1 =	sld [smem:$0x3F97];
	s0 =	simm.s32 @p0 $0x1  }
0x13: {  	[smem:$0x3FB2] =	sst s0;
	s0 =	simm.s32 @!p1 $0x0  }
0x14: {  	s2 =	sld [smem:$0x3F96];
	s0 =	simm.s32 @p1 $0x1  }
0x15: {  	[smem:$0x3FB3] =	sst s0;
	s0 =	simm.s32 @!p2 $0x0  }
0x16: {  	s3 =	sld [smem:$0x3FDB];
	s0 =	simm.s32 @p2 $0x1  }
0x17: {  	s4 =	simm.s32 $0x1BF5;
	[smem:$0x3FB5] =	sst s0  }
0x18: {  	s0 =	sld [smem:$0x3F98];
	_ =	swait.ge [sflag:s4], $0x0  }
0x19: {  	s7 =	sld [smem:$0x3F99]  }
0x1a: {  	s8 =	sadd.s32 $0xFFFFE003, lr  }
0x1b: {  	s9 =	sadd.s32 $0xFFFFFEF7, lr;
	s5 =	simm.s32 $0xFFFFFFFF;
	p2 =	slt.u32 s8, $0xFFFFF086  }
0x1c: {  	p1 =	slt.u32 s9, $0xF7A;
	s5 =	simm.s32 @!p2 $0x0  }
0x1d: {  	s5 =	simm.s32 @p1 $0x1;
	p0 =	seq.s32 s7, s2  }
0x1e: {  	s7 =	smul.u32 @!p0 $0xF7A, s2;
	p2 =	seq.s32 @!p0 s5, $0x0  }
0x1f: {  	s9 =	smul.u32 $0xF7A, s1;
	s8 =	simm.s32 @!p0 $0x1BF5;
	p2 =	por !p2, p0  }
0x20: {  	[sflag:s8] =	ssyncset.s32 @!p0 $0xFFFFF086;
	s6 =	sadd.s32 @!p0 s3, s7;
	s7 =	simm.s32 @!p0 $0x108  }
0x21: {  	s3 =	sadd.s32 s3, s9;
	s6 =	sadd.s32 @!p0 $0x88, s6;
	s7 =	simm.s32 @p2 $0x1082  }
0x22: {  	[simem:s7], [sflag:s8] =	dma.local @!p0 [hbm:s6], $0xF7A  }
0x23: {  	s9 =	sor.u32 $0xD0000000, s2;
	s6 =	simm.s32 $0x108;
	_ =	swait.ge @!p0 [sflag:s8], $0x0  }
0x24: {  	s3 =	sadd.s32 $0x88, s3;
	s6 =	simm.s32 @!p1 $0x1082;
	[sflag:s4] =	ssyncset.s32 $0xFFFFF086  }
0x25: {  	[simem:s6], [sflag:s4] =	dma.local [hbm:s3], $0xF7A  }
0x26: {  	[smem:$0x3F99] =	sst s1;
	(tag) =	ssettag s2;
	_ =	strace s9  }
0x27: {  	s1 =	sld [smem:$0x3FA9]  }
0x28: {  	s2 =	sld [smem:$0x3FAA]  }
0x29: {  	s4 =	sld [smem:$0x3FAC]  }
0x2a: {  	p0 =	seq.s32 s5, $0x0;
	s5 =	sld [smem:$0x3FAD]  }
0x2b: {  	s6 =	sld [smem:$0x3FAE]  }
0x2c: {  	s7 =	sld [smem:$0x3FAF]  }
0x2d: {  	s3 =	simm.s32 $0x108;
	s8 =	sld [smem:$0x3FB0]  }
0x2e: {  	s3 =	simm.s32 @!p0 $0x1082;
	s9 =	sld [smem:$0x3FB1]  }
0x2f: {  	lr =	sadd.s32 s0, s3;
	s0 =	sld [smem:$0x3FA8]  }
0x30: {  	s3 =	sld [smem:$0x3FAB]  }
0x31: {  	[smem:$0x3FB4] =	sst s10  }
0x32: {  	s10 =	sld [smem:$0x3FB2];
	_ =	sdelay $0x3  }
0x33: {  	p0 =	seq.s32 s10, $0x1;
	s10 =	sld [smem:$0x3FB4];
	_ =	sdelay $0x3  }
0x34: {  	[smem:$0x3FB4] =	sst s10  }
0x35: {  	s10 =	sld [smem:$0x3FB3];
	_ =	sdelay $0x3  }
0x36: {  	p1 =	seq.s32 s10, $0x1;
	s10 =	sld [smem:$0x3FB4];
	_ =	sdelay $0x3  }
0x37: {  	[smem:$0x3FB4] =	sst s10  }
0x38: {  	s10 =	sld [smem:$0x3FB5]  }
0x39: {  	_ = 	snop;
	(pc) =	sbr.ind lr, $3  }
0x3a: {  	_ = 	snop  }
0x3b: {  	_ = 	snop  }
0x3c: {  	p2 =	seq.s32 s10, $0x1;
	s10 =	sld [smem:$0x3FB4]  }
0x3d: {  	_ =	shalt  }
0x3e: {  	_ =	shalt  }
0x3f: {  	_ =	shalt  }
0x40: {  	_ =	shalt  }
0x41: {  	_ =	shalt  }
0x42: {  	_ =	shalt  }
0x43: {  	_ =	shalt  }
0x44: {  	_ =	shalt  }
0x45: {  	_ =	shalt  }
0x46: {  	_ =	shalt  }
0x47: {  	_ =	shalt  }
0x48: {  	_ =	shalt  }
0x49: {  	_ =	shalt  }
0x4a: {  	_ =	shalt  }
0x4b: {  	_ =	shalt  }
0x4c: {  	_ =	shalt  }
0x4d: {  	_ =	shalt  }
0x4e: {  	_ =	shalt  }
0x4f: {  	_ =	shalt  }
0x50: {  	_ =	shalt  }
0x51: {  	_ =	shalt  }
0x52: {  	_ =	shalt  }
0x53: {  	_ =	shalt  }
0x54: {  	_ =	shalt  }
0x55: {  	_ =	shalt  }
0x56: {  	_ =	shalt  }
0x57: {  	_ =	shalt  }
0x58: {  	_ =	shalt  }
0x59: {  	_ =	shalt  }
0x5a: {  	_ =	shalt  }
0x5b: {  	_ =	shalt  }
0x5c: {  	_ =	shalt  }
0x5d: {  	_ =	shalt  }
0x5e: {  	_ =	shalt  }
0x5f: {  	_ =	shalt  }
0x60: {  	_ =	shalt  }
0x61: {  	_ =	shalt  }
0x62: {  	_ =	shalt  }
0x63: {  	_ =	shalt  }
0x64: {  	_ =	shalt  }
0x65: {  	_ =	shalt  }
0x66: {  	_ =	shalt  }
0x67: {  	_ =	shalt  }
0x68: {  	_ =	shalt  }
0x69: {  	_ =	shalt  }
0x6a: {  	_ =	shalt  }
0x6b: {  	_ =	shalt  }
0x6c: {  	_ =	shalt  }
0x6d: {  	_ =	shalt  }
0x6e: {  	_ =	shalt  }
0x6f: {  	_ =	shalt  }
0x70: {  	_ =	shalt  }
0x71: {  	_ =	shalt  }
0x72: {  	_ =	shalt  }
0x73: {  	_ =	shalt  }
0x74: {  	_ =	shalt  }
0x75: {  	_ =	shalt  }
0x76: {  	_ =	shalt  }
0x77: {  	_ =	shalt  }
0x78: {  	_ =	shalt  }
0x79: {  	_ =	shalt  }
0x7a: {  	_ =	shalt  }
0x7b: {  	_ =	shalt  }
0x7c: {  	_ =	shalt  }
0x7d: {  	_ =	shalt  }
0x7e: {  	_ =	shalt  }
0x7f: {  	_ =	shalt  }
0x80: {  	_ =	shalt  }
0x81: {  	_ =	shalt  }
0x82: {  	_ =	shalt  }
0x83: {  	_ =	shalt  }
0x84: {  	_ =	shalt  }
0x85: {  	_ =	shalt  }
0x86: {  	_ =	shalt  }
0x87: {  	_ =	shalt  }
.Lfunc_end0:
.L_simem_size_0:
called_computation_lowered:
.L_overlay_start_0:
0x88: {  	s2 =	sld [smem:$0x3FD9]  }
0x89: {  	s3 =	sld [smem:$0x3FFE];
	_ =	sdelay $0x1  }
0x8a: {  	s1 =	srdreg.scid  }
0x8b: {  	s0 =	sand.u32 $0x1, s1  }
0x8c: {  	s15 =	sshll.u32 s0, $0xA;
	s2 =	sadd.s32 s3, s2  }
0x8d: {  	s2 =	sadd.s32 s2, s15  }
0x8e: {  	[smem:$0x3FC0] =	sst s2  }
0x8f: {  	_ = 	snop  }
0x90: {  	s2 =	sld [smem:$0x3FD0]  }
0x91: {  	s16 =	sld [smem:$0x3FC9]  }
0x92: {  	s4 =	sld [smem:$0x3FC8]  }
0x93: {  	s6 =	simm.s32 $0xA;
	s7 =	simm.s32 $0x10;
	s5 =	sld [smem:$0x3FC7]  }
0x94: {  	[smem:s7], [sflag:s6] =	dma.local [hbm:s2], $0x1  }
0x95: {  	_ =	swait.eq [sflag:s6], $0x1  }
0x96: {  	[sflag:s6] =	ssyncset.done $0x0  }
0x97: {  	[sflag:s6] =	ssyncadd.s32 $0xFFFFFFFF  }
0x98: {  	s17 =	sld [smem:$0x10];
	(tm) =	ssettm $0x1  }
0x99: {  	s18 =	sld [smem:$0x3FFB];
	_ =	sdelay $0x3  }
0x9a: {  	_ =	strace s18  }
0x9b: {  	s6 =	sld [smem:$0x3FFC];
	_ =	sdelay $0x3  }
0x9c: {  	_ =	strace s6  }
0x9d: {  	s6 =	sld [smem:$0x3FFD];
	_ =	sdelay $0x3  }
0x9e: {  	_ =	strace s6  }
0x9f: {  	_ =	strace $0x8FFFFFFF  }
0xa0: {  	s19 =	sld [smem:$0x3FDB];
	_ =	sdelay $0x1  }
0xa1: {  	s20 =	simm.s32 $_scs_section_size  }
0xa2: {  	s8 =	simm.s32 $_size__tile_overlayer_lowered;
	s9 =	simm.s32 $_tile_overlayer_lowered  }
0xa3: {  	s23 =	simm.s32 $0x1BFF;
	s22 =	sshll.u32 s9, $0x1;
	s6 =	sadd.s32 s20, s19  }
0xa4: {  	s10 =	simm.s32 $0x0;
	s21 =	sshll.u32 s8, $0x1;
	s8 =	sadd.s32 s22, s6  }
0xa5: {  	[timem:s10], [sflag:s23] =	dma.local [hbm:s8], s21  }
0xa6: {  	_ =	swait.ge [sflag:s23], s21  }
0xa7: {  	s7 =	ssub.s32 $0x0, s21;
	[sflag:s23] =	ssyncset.done $0x0  }
0xa8: {  	[sflag:s23] =	ssyncadd.s32 s7;
	_ =	sdelay $0x1  }
0xa9: {  	s24 =	simm.s32 $0x1B8B  }
0xaa: {  	_ =	swait.ge [sflag:s24], $0x1  }
0xab: {  	[sflag:s24] =	ssyncset.done $0x0  }
0xac: {  	s25 =	simm.s32 $0x1B8E;
	[sflag:s24] =	ssyncadd.s32 $0xFFFFFFFF  }
0xad: {  	s26 =	simm.s32 $execute0_lowered;
	[smem:$0x3FD2] =	sst s25  }
0xae: {  	s7 =	sshll.u32 s26, $0x1;
	_ =	strace $0x80000046;
	[dreg:$0x1] =	wrdreg $0xFFFFFFFF  }
0xaf: {  	s28 =	simm.s32 $_size_execute0_lowered;
	s6 =	sadd.s32 s6, s7;
	[dreg:$0x0] =	wrdreg $0x0  }
0xb0: {  	s7 =	sshll.u32 s28, $0x1;
	[dreg:$0x2] =	wrdreg s6  }
0xb1: {  	[dreg:$0x3] =	wrdreg s7  }
0xb2: {  	[dreg:$0x4] =	wrdreg $0xC0  }
0xb3: {  	_ =	task [dreg:s10], $0x5FFFF  }
0xb4: {  	[dreg:$0x1] =	wrdreg $0xFFFFFFFF  }
0xb5: {  	[dreg:$0x0] =	wrdreg $0x60  }
0xb6: {  	[dreg:$0x2] =	wrdreg s16  }
0xb7: {  	[dreg:$0x3] =	wrdreg s4  }
0xb8: {  	[dreg:$0x4] =	wrdreg s5  }
0xb9: {  	[dreg:$0x5] =	wrdreg s17  }
0xba: {  	[dreg:$0x6] =	wrdreg $0x9  }
0xbb: {  	_ =	task.clear_ibuf [dreg:s10], $0x7FFFF;
	_ =	strace $0x90000046  }
0xbc: {  	s29 =	simm.s32 $0x9;
	_ =	strace $0x80000048  }
0xbd: {  	_ =	swait.ge [sflag:s29], $0x1  }
0xbe: {  	[sflag:s29] =	ssyncadd.s32 $0xFFFFFFFF  }
0xbf: {  	_ =	strace $0x90000048  }
0xc0: {  	_ =	sfence  }
0xc1: {  	s30 =	sld [smem:$0x0];
	_ =	sdelay $0x2  }
0xc2: {  	s31 =	sshll.u32 s1, $0xD;
	s1 =	sshrl.u32 s1, $0x2  }
0xc3: {  	s3 =	sand.u32 $0x4000, s31;
	s1 =	sadd.s32 s1, s30  }
0xc4: {  	s0 =	sor.u32 s3, s0;
	s1 =	sshll.u32 s1, $0x11  }
0xc5: {  	s0 =	sor.u32 s1, s0  }
0xc6: {  	s0 =	sadd.s32 $0x8F2B, s0  }
0xc7: {  	[sflag:s0] =	ssyncadd.remote.s32 $0x1  }
0xc8: {  	_ =	sfence.sel $0xFFFF  }
0xc9: {  	[dreg:$0x0] =	wrdreg $0xFFFFFFFF;
	(pc) =	sbr.abs _section_cstart, $3  }
0xca: {  	[dreg:$0x1] =	wrdreg $0xFFFFFFFF  }
0xcb: {  	_ =	task.clear_ibuf [dreg:s10], $0x2FFFF;
	_ =	strace $0x9FFFFFFF  }
0xcc: {  	(tm) =	ssettm $0x7FFFFFFF  }
0xcd: {  	_ =	shalt  }
tec
execute0_lowered:
.L_overlay_start_1:
0x0: {  	(tag) =	ssettag $0x1  }
0x1: {  	s5 =	rddreg [dreg:$0x0]  }
0x2: {  	s1 =	rddreg [dreg:$0x1]  }
0x3: {  	s2 =	rddreg [dreg:$0x2]  }
0x4: {  	s6 =	rddreg [dreg:$0x3]  }
0x5: {  	s0 =	rddreg [dreg:$0x4]  }
0x6: {  	s4 =	simm.s32 $0x0;
	s7 =	srdreg.scid;
	s3 =	stileid.u32  }
0x7: {  	[smem:$0x7FF] =	sst s4;
	s7 =	sand.u32 $0x1, s7;
	s8 =	sshll.u32 s3, $0x8  }
0x8: {  	s10 =	sshll.u32 s3, $0xC;
	_ =	strace $0x80000047;
	s9 =	sshll.u32 s7, $0x7  }
0x9: {  	s30 =	ssub.s32 $0x2, s7;
	s6 =	sadd.s32 s10, s6;
	s7 =	sshll.u32 s7, $0xB  }
0xa: {  	s10 =	simm.s32 $0x0;
	s8 =	sor.u32 s9, s8;
	s31 =	sshrl.u32 s30, $0x1  }
0xb: {  	s7 =	sadd.s32 s7, s6;
	s8 =	sshrl.u32 s8, $0x3;
	s9 =	ssub.s32 s30, s31  }
0xc: {  	[dreg:$0x5] =	wrdreg s7;
	s7 =	simm.s32 $0x2;
	s5 =	sadd.s32 s5, s8  }
0xd: {  	s6 =	smax.u32 s9, $0x1;
	s8 =	simm.s32 $0x100;
	s9 =	simm.s32 $0x1  }
.LBB2_1:
0xe: {  	[tilespmem:s4], [sflag:$0x2] =	stream.linear.gather [hbm4b:s1+s4], $0x80, $0x38;
	[tilespmem:$0x900] =	vst v63  }
0xf: {  	_ =	swait.ge [sflag:s7], $0x80  }
0x10: {  	[sflag:s7] =	ssyncset.done $0x0  }
0x11: {  	[sflag:s7] =	ssyncadd.s32 $0xFFFFFF80  }
0x12: {  	v0 =	vld [tilespmem:$0x0];
	[tilespmem:s8], [sflag:$0x2] =	stream.linear.gather [hbm4b:s2+s4], $0x500, $0x38  }
0x13: {  	_ =	swait.ge [sflag:s7], $0x500  }
0x14: {  	[sflag:s7] =	ssyncset.done $0x0  }
0x15: {  	s12 =	simm.s32 $0x0;
	[sflag:s7] =	ssyncadd.s32 $0xFFFFFB00  }
0x16: {  	v1 =	vld [tilespmem:s12+$0x170];
	_ =	sdelay $0x1  }
0x17: {  	v2 =	vld [tilespmem:s12+$0x150];
	_ =	sdelay $0x2  }
0x18: {  	v3 =	vld [tilespmem:s12+$0x120];
	v1 =	vmul.f32 v1, v0  }
0x19: {  	v4 =	vld [tilespmem:s12+$0x140]  }
0x1a: {  	v2 =	vmul.f32 v2, v0;
	v5 =	vand.u32 $0x7FFFFFFF, v1  }
0x1b: {  	v6 =	vld [tilespmem:s12+$0x100];
	v5 =	vsub.f32 $0.0e+00, v5  }
0x1c: {  	v7 =	vand.u32 $0x7FFFFFFF, v2  }
0x1d: {  	v8 =	vld [tilespmem:s12+$0x130];
	v3 =	vmul.f32 v3, v0;
	v7 =	vsub.f32 $0.0e+00, v7;
	v5 =	vmul.f32 $1.442695020e+00, v5  }
0x1e: {  	v4 =	vmul.f32 v4, v0  }
0x1f: {  	v9 =	vand.u32 $0x7FFFFFFF, v3;
	(erf) = vpow2.f32 v5;
	v5 =	vmul.f32 $1.442695020e+00, v7  }
0x20: {  	v6 =	vmul.f32 v6, v0;
	v7 =	vsub.f32 $0.0e+00, v9;
	v9 =	vand.u32 $0x7FFFFFFF, v4  }
0x21: {  	v9 =	vsub.f32 $0.0e+00, v9;
	(erf) = vpow2.f32 v5  }
0x22: {  	v5 =	vmul.f32 $1.442695020e+00, v7;
	v7 =	vmul.f32 v8, v0;
	v8 =	vand.u32 $0x7FFFFFFF, v6  }
0x23: {  	v8 =	vsub.f32 $0.0e+00, v8  }
0x24: {  	v9 =	vmul.f32 $1.442695020e+00, v9;
	(erf) = vpow2.f32 v5;
	v5 =	vand.u32 $0x7FFFFFFF, v7  }
0x25: {  	v5 =	vsub.f32 $0.0e+00, v5;
	v8 =	vmul.f32 $1.442695020e+00, v8  }
0x26: {  	(erf) = vpow2.f32 v9  }
0x27: {  	v5 =	vmul.f32 $1.442695020e+00, v5;
	_ =	sdelay $0x1  }
0x28: {  	(erf) = vpow2.f32 v8;
	v8 =	vpop (erf)  }
0x29: {  	v9 =	vadd.f32 $1.000000000e+00, v8  }
0x2a: {  	(erf) = vpow2.f32 v5;
	v5 =	vpop (erf)  }
0x2b: {  	(erf) = vrcp.f32 v9;
	v9 =	vadd.f32 $1.000000000e+00, v5  }
0x2c: {  	v10 =	vpop (erf)  }
0x2d: {  	(erf) = vrcp.f32 v9;
	v9 =	vadd.f32 $1.000000000e+00, v10  }
0x2e: {  	v12 =	vpop (erf)  }
0x2f: {  	v11 =	vld [tilespmem:s12+$0x110];
	v13 =	vadd.f32 $1.000000000e+00, v12;
	_ =	sdelay $0x1  }
0x30: {  	(erf) = vrcp.f32 v9;
	v9 =	vpop (erf)  }
0x31: {  	v14 =	vadd.f32 $1.000000000e+00, v9  }
0x32: {  	(erf) = vrcp.f32 v13;
	v13 =	vpop (erf)  }
0x33: {  	v11 =	vmul.f32 v11, v0;
	v15 =	vadd.f32 $1.000000000e+00, v13  }
0x34: {  	(erf) = vrcp.f32 v14  }
0x35: {  	v14 =	vpop (erf);
	(erf) = vrcp.f32 v15;
	v15 =	vand.u32 $0x7FFFFFFF, v11;
	_ =	sdelay $0x2  }
0x36: {  	vm0 =	vge.f32 v1, $0.0e+00;
	v8 =	vmul.f32 v14, v8;
	v1 =	vsub.f32 $0.0e+00, v15;
	v15 =	vpop (erf)  }
0x37: {  	v5 =	vmul.f32 v15, v5  }
0x38: {  	v8 =	vsel vm0, v14, v8;
	vm0 =	vge.f32 v2, $0.0e+00  }
0x39: {  	s11 =	simm.s32 $0x80;
	v14 =	vld [tilespmem:s12+$0x160];
	[tilespmem:s12+$0x170] =	vst v8;
	v5 =	vsel vm0, v15, v5  }
0x3a: {  	v2 =	vpop (erf);
	v8 =	vld [tilespmem:s11+$0x170]  }
0x3b: {  	v1 =	vmul.f32 $1.442695020e+00, v1;
	v10 =	vmul.f32 v2, v10  }
0x3c: {  	vm0 =	vge.f32 v3, $0.0e+00;
	[tilespmem:s12+$0x150] =	vst v5;
	v5 =	vpop (erf)  }
0x3d: {  	(erf) = vpow2.f32 v1;
	v1 =	vsel vm0, v2, v10;
	v12 =	vmul.f32 v5, v12;
	v2 =	vpop (erf)  }
0x3e: {  	vm0 =	vge.f32 v4, $0.0e+00;
	v3 =	vld [tilespmem:s11+$0x150];
	[tilespmem:s12+$0x120] =	vst v1;
	v1 =	vmul.f32 v14, v0;
	v4 =	vmul.f32 v2, v9  }
0x3f: {  	v9 =	vsel vm0, v5, v12;
	vm0 =	vge.f32 v6, $0.0e+00;
	v5 =	vmul.f32 v8, v0;
	v6 =	vpop (erf)  }
0x40: {  	v10 =	vld [tilespmem:s11+$0x120];
	[tilespmem:s12+$0x140] =	vst v9;
	v8 =	vmul.f32 v6, v13;
	v9 =	vand.u32 $0x7FFFFFFF, v1  }
0x41: {  	v2 =	vsel vm0, v2, v4;
	vm0 =	vge.f32 v7, $0.0e+00;
	v4 =	vand.u32 $0x7FFFFFFF, v5  }
0x42: {  	v12 =	vld [tilespmem:s11+$0x140];
	v7 =	vsub.f32 $0.0e+00, v9;
	[tilespmem:s12+$0x100] =	vst v2;
	v2 =	vsub.f32 $0.0e+00, v4;
	v4 =	vsel vm0, v6, v8  }
0x43: {  	v6 =	vld [tilespmem:s11+$0x100];
	[tilespmem:s12+$0x130] =	vst v4  }
0x44: {  	v8 =	vmul.f32 $1.442695020e+00, v7;
	v9 =	vld [tilespmem:s11+$0x130]  }
0x45: {  	v4 =	vmul.f32 v3, v0;
	v13 =	vmul.f32 $1.442695020e+00, v2  }
0x46: {  	v2 =	vmul.f32 v10, v0;
	v7 =	vpop (erf);
	(erf) = vpow2.f32 v8  }
0x47: {  	v8 =	vand.u32 $0x7FFFFFFF, v4;
	v14 =	vadd.f32 $1.000000000e+00, v7;
	(erf) = vpow2.f32 v13  }
0x48: {  	v3 =	vmul.f32 v12, v0;
	v8 =	vsub.f32 $0.0e+00, v8;
	v6 =	vmul.f32 v6, v0  }
0x49: {  	v10 =	vand.u32 $0x7FFFFFFF, v2;
	(erf) = vrcp.f32 v14;
	v9 =	vmul.f32 v9, v0  }
0x4a: {  	v10 =	vsub.f32 $0.0e+00, v10;
	v12 =	vand.u32 $0x7FFFFFFF, v3;
	v8 =	vmul.f32 $1.442695020e+00, v8  }
0x4b: {  	v13 =	vand.u32 $0x7FFFFFFF, v6;
	v12 =	vsub.f32 $0.0e+00, v12;
	v14 =	vand.u32 $0x7FFFFFFF, v9  }
0x4c: {  	v10 =	vmul.f32 $1.442695020e+00, v10;
	(erf) = vpow2.f32 v8;
	v8 =	vsub.f32 $0.0e+00, v14  }
0x4d: {  	v13 =	vsub.f32 $0.0e+00, v13;
	v12 =	vmul.f32 $1.442695020e+00, v12  }
0x4e: {  	(erf) = vpow2.f32 v10;
	v10 =	vmul.f32 $1.442695020e+00, v8  }
0x4f: {  	v13 =	vmul.f32 $1.442695020e+00, v13  }
0x50: {  	(erf) = vpow2.f32 v12;
	v8 =	vpop (erf)  }
0x51: {  	vm1 =	vge.f32 v11, $0.0e+00;
	vm0 =	vge.f32 v9, $0.0e+00;
	(erf) = vpow2.f32 v13;
	v9 =	vpop (erf)  }
0x52: {  	s13 =	simm.s32 $0x400;
	s14 =	simm.s32 $0x600;
	v12 =	vadd.f32 $1.000000000e+00, v8;
	(erf) = vpow2.f32 v10;
	v11 =	vadd.f32 $1.000000000e+00, v9;
	v10 =	vpop (erf)  }
.LBB2_2:
0x53: {  	p0 =	sne.s32 s14, $0x1200  }
0x54: {  	s15 =	sshra.s32 s13, $0x2;
	v7 =	vmul.f32 v10, v7;
	(erf) = vrcp.f32 v12;
	s13 =	smov.u32 s14;
	s14 =	sadd.s32 $0x200, s14  }
0x55: {  	(erf) = vrcp.f32 v11  }
0x56: {  	v11 =	vpop (erf);
	v7 =	vsel vm1, v10, v7  }
0x57: {  	v10 =	vadd.f32 $1.000000000e+00, v11;
	[tilespmem:s12+$0x110] =	vst v7  }
0x58: {  	v7 =	vld [tilespmem:s11+$0x110]  }
0x59: {  	v12 =	vpop (erf);
	(erf) = vrcp.f32 v10  }
0x5a: {  	v17 =	vadd.f32 $1.000000000e+00, v12;
	v13 =	vpop (erf)  }
0x5b: {  	v18 =	vadd.f32 $1.000000000e+00, v13;
	v15 =	vpop (erf)  }
0x5c: {  	vm2 =	vge.f32 v5, $0.0e+00;
	v19 =	vadd.f32 $1.000000000e+00, v15;
	(erf) = vrcp.f32 v17;
	v10 =	vpop (erf)  }
0x5d: {  	v5 =	vmul.f32 v7, v0;
	v7 =	vadd.f32 $1.000000000e+00, v10;
	(erf) = vrcp.f32 v18;
	v14 =	vpop (erf)  }
0x5e: {  	vm3 =	vge.f32 v1, $0.0e+00;
	(erf) = vrcp.f32 v19;
	v16 =	vpop (erf);
	v1 =	vmul.f32 v14, v8  }
0x5f: {  	v8 =	vand.u32 $0x7FFFFFFF, v5;
	v9 =	vmul.f32 v16, v9;
	(erf) = vrcp.f32 v7  }
0x60: {  	vm1 =	vge.f32 v5, $0.0e+00;
	v7 =	vsub.f32 $0.0e+00, v8;
	v1 =	vsel vm3, v14, v1  }
0x61: {  	v8 =	vsel vm2, v16, v9;
	[tilespmem:s12+$0x160] =	vst v1;
	s12 =	smov.u32 s11;
	s11 =	smov.u32 s15  }
0x62: {  	v1 =	vmul.f32 $1.442695020e+00, v7;
	v7 =	vld [tilespmem:s12+$0x160];
	[tilespmem:s12+$0x170] =	vst v8;
	v5 =	vpop (erf)  }
0x63: {  	vm2 =	vge.f32 v4, $0.0e+00;
	v8 =	vld [tilespmem:s11+$0x170];
	v9 =	vmul.f32 v5, v11  }
0x64: {  	vm3 =	vge.f32 v6, $0.0e+00;
	(erf) = vpow2.f32 v1  }
0x65: {  	v1 =	vsel vm2, v5, v9;
	v4 =	vpop (erf)  }
0x66: {  	vm2 =	vge.f32 v3, $0.0e+00;
	v11 =	vmul.f32 v4, v12;
	[tilespmem:s12+$0x150] =	vst v1;
	v3 =	vpop (erf)  }
0x67: {  	vm4 =	vge.f32 v2, $0.0e+00;
	v9 =	vld [tilespmem:s11+$0x150];
	v2 =	vmul.f32 v3, v13;
	v1 =	vmul.f32 v7, v0;
	v7 =	vpop (erf)  }
0x68: {  	v5 =	vmul.f32 v8, v0;
	v8 =	vmul.f32 v7, v15;
	v4 =	vsel vm4, v4, v11;
	v6 =	vpop (erf)  }
0x69: {  	[tilespmem:s12+$0x120] =	vst v4;
	v4 =	vmul.f32 v6, v10;
	v2 =	vsel vm2, v3, v2;
	v3 =	vand.u32 $0x7FFFFFFF, v1  }
0x6a: {  	v10 =	vld [tilespmem:s11+$0x120];
	v11 =	vand.u32 $0x7FFFFFFF, v5;
	v7 =	vsel vm3, v7, v8;
	[tilespmem:s12+$0x140] =	vst v2;
	v2 =	vsub.f32 $0.0e+00, v3  }
0x6b: {  	v3 =	vld [tilespmem:s11+$0x140];
	v8 =	vsub.f32 $0.0e+00, v11;
	[tilespmem:s12+$0x100] =	vst v7;
	v6 =	vsel vm0, v6, v4  }
0x6c: {  	v11 =	vld [tilespmem:s11+$0x100];
	v4 =	vmul.f32 v9, v0;
	[tilespmem:s12+$0x130] =	vst v6;
	v2 =	vmul.f32 $1.442695020e+00, v2  }
0x6d: {  	v9 =	vld [tilespmem:s11+$0x130];
	v6 =	vmul.f32 $1.442695020e+00, v8;
	v7 =	vpop (erf)  }
0x6e: {  	v8 =	vand.u32 $0x7FFFFFFF, v4;
	v12 =	vadd.f32 $1.000000000e+00, v7;
	(erf) = vpow2.f32 v2  }
0x6f: {  	v2 =	vmul.f32 v10, v0;
	v8 =	vsub.f32 $0.0e+00, v8;
	(erf) = vpow2.f32 v6  }
0x70: {  	v3 =	vmul.f32 v3, v0;
	(erf) = vrcp.f32 v12  }
0x71: {  	v6 =	vmul.f32 v11, v0;
	v10 =	vand.u32 $0x7FFFFFFF, v2;
	v8 =	vmul.f32 $1.442695020e+00, v8  }
0x72: {  	v10 =	vsub.f32 $0.0e+00, v10;
	v9 =	vmul.f32 v9, v0;
	v11 =	vand.u32 $0x7FFFFFFF, v3  }
0x73: {  	v12 =	vand.u32 $0x7FFFFFFF, v6;
	v11 =	vsub.f32 $0.0e+00, v11;
	(erf) = vpow2.f32 v8  }
0x74: {  	v14 =	vsub.f32 $0.0e+00, v12;
	v10 =	vmul.f32 $1.442695020e+00, v10;
	v12 =	vand.u32 $0x7FFFFFFF, v9  }
.Ltmp0:
0x75: {  	v12 =	vsub.f32 $0.0e+00, v12;
	v11 =	vmul.f32 $1.442695020e+00, v11;
	(pc) =	sbr.rel @p0 .LBB2_2-.Ltmp0, $4  }
0x76: {  	v13 =	vmul.f32 $1.442695020e+00, v14;
	(erf) = vpow2.f32 v10  }
0x77: {  	v14 =	vmul.f32 $1.442695020e+00, v12;
	(erf) = vpow2.f32 v11;
	v8 =	vpop (erf)  }
0x78: {  	vm0 =	vge.f32 v9, $0.0e+00;
	(erf) = vpow2.f32 v13;
	v9 =	vpop (erf);
	v12 =	vadd.f32 $1.000000000e+00, v8  }
0x79: {  	v11 =	vadd.f32 $1.000000000e+00, v9;
	(erf) = vpow2.f32 v14;
	v10 =	vpop (erf)  }
0x7a: {  	_ = 	snop  }
0x7b: {  	(erf) = vrcp.f32 v12;
	_ =	sdelay $0x1  }
0x7c: {  	v7 =	vmul.f32 v10, v7;
	v30 =	vpop (erf);
	(erf) = vrcp.f32 v11  }
0x7d: {  	v31 =	vadd.f32 $1.000000000e+00, v30  }
0x7e: {  	v7 =	vsel vm1, v10, v7;
	v13 =	vpop (erf)  }
0x7f: {  	[tilespmem:s12+$0x110] =	vst v7;
	(erf) = vrcp.f32 v31;
	v32 =	vadd.f32 $1.000000000e+00, v13;
	v33 =	vpop (erf)  }
0x80: {  	v34 =	vld [tilespmem:s11+$0x110];
	v14 =	vadd.f32 $1.000000000e+00, v33  }
0x81: {  	v35 =	vpop (erf);
	(erf) = vrcp.f32 v32  }
0x82: {  	v15 =	vadd.f32 $1.000000000e+00, v35;
	v16 =	vpop (erf);
	(erf) = vrcp.f32 v14  }
0x83: {  	v36 =	vpop (erf);
	v17 =	vadd.f32 $1.000000000e+00, v16  }
0x84: {  	(erf) = vrcp.f32 v15;
	v8 =	vmul.f32 v36, v8  }
0x85: {  	vm12 =	vge.f32 v1, $0.0e+00;
	v11 =	vmul.f32 v34, v0;
	v37 =	vpop (erf);
	(erf) = vrcp.f32 v17  }
0x86: {  	v38 =	vmul.f32 v37, v9;
	v8 =	vsel vm12, v36, v8  }
0x87: {  	vm13 =	vge.f32 v5, $0.0e+00;
	v39 =	vand.u32 $0x7FFFFFFF, v11;
	[tilespmem:s12+$0x160] =	vst v8  }
0x88: {  	v5 =	vsub.f32 $0.0e+00, v39;
	v40 =	vpop (erf);
	v1 =	vsel vm13, v37, v38;
	v41 =	vld [tilespmem:s11+$0x160]  }
0x89: {  	s16 =	sshra.s32 s13, $0x2;
	v12 =	vmul.f32 v40, v30;
	[tilespmem:s11+$0x170] =	vst v1  }
0x8a: {  	vm14 =	vge.f32 v4, $0.0e+00;
	v43 =	vmul.f32 $1.442695020e+00, v5;
	v44 =	vld [tilespmem:s16+$0x170];
	v42 =	vpop (erf)  }
0x8b: {  	v8 =	vsel vm14, v40, v12;
	v45 =	vmul.f32 v42, v13;
	v46 =	vpop (erf)  }
0x8c: {  	vm15 =	vge.f32 v2, $0.0e+00;
	[tilespmem:s11+$0x150] =	vst v8;
	(erf) = vpow2.f32 v43;
	v48 =	vmul.f32 v46, v33  }
0x8d: {  	vm4 =	vge.f32 v3, $0.0e+00;
	vm5 =	vge.f32 v6, $0.0e+00;
	v47 =	vld [tilespmem:s16+$0x150];
	v49 =	vpop (erf);
	v50 =	vmul.f32 v41, v0  }
0x8e: {  	v1 =	vsel vm15, v42, v45;
	v51 =	vmul.f32 v49, v35;
	v53 =	vpop (erf);
	v4 =	vsel vm4, v46, v48  }
0x8f: {  	[tilespmem:s11+$0x120] =	vst v1;
	v5 =	vmul.f32 v44, v0;
	v54 =	vmul.f32 v53, v16;
	v9 =	vand.u32 $0x7FFFFFFF, v50  }
0x90: {  	v52 =	vld [tilespmem:s16+$0x120];
	[tilespmem:s11+$0x140] =	vst v4;
	v3 =	vsel vm5, v49, v51;
	v9 =	vsub.f32 $0.0e+00, v9  }
0x91: {  	v55 =	vld [tilespmem:s16+$0x140];
	[tilespmem:s11+$0x100] =	vst v3;
	v56 =	vand.u32 $0x7FFFFFFF, v5;
	v4 =	vsel vm0, v53, v54  }
0x92: {  	v57 =	vld [tilespmem:s16+$0x100];
	v3 =	vsub.f32 $0.0e+00, v56;
	[tilespmem:s11+$0x130] =	vst v4;
	v58 =	vmul.f32 $1.442695020e+00, v9;
	v2 =	vmul.f32 v47, v0  }
0x93: {  	v59 =	vld [tilespmem:s16+$0x130]  }
0x94: {  	v3 =	vmul.f32 $1.442695020e+00, v3;
	(erf) = vpow2.f32 v58;
	v61 =	vand.u32 $0x7FFFFFFF, v2  }
0x95: {  	v60 =	vpop (erf);
	v8 =	vmul.f32 v52, v0;
	v4 =	vsub.f32 $0.0e+00, v61  }
0x96: {  	v62 =	vadd.f32 $1.000000000e+00, v60;
	(erf) = vpow2.f32 v3;
	v63 =	vmul.f32 v55, v0  }
0x97: {  	v6 =	vmul.f32 v57, v0;
	v19 =	vand.u32 $0x7FFFFFFF, v8;
	v4 =	vmul.f32 $1.442695020e+00, v4  }
0x98: {  	v7 =	vsub.f32 $0.0e+00, v19;
	v9 =	vmul.f32 v59, v0;
	v20 =	vand.u32 $0x7FFFFFFF, v63  }
0x99: {  	(erf) = vrcp.f32 v62;
	v21 =	vand.u32 $0x7FFFFFFF, v6;
	v12 =	vsub.f32 $0.0e+00, v20  }
0x9a: {  	v13 =	vsub.f32 $0.0e+00, v21;
	v7 =	vmul.f32 $1.442695020e+00, v7;
	v22 =	vand.u32 $0x7FFFFFFF, v9  }
0x9b: {  	(erf) = vpow2.f32 v4;
	v23 =	vsub.f32 $0.0e+00, v22;
	v12 =	vmul.f32 $1.442695020e+00, v12  }
0x9c: {  	v13 =	vmul.f32 $1.442695020e+00, v13;
	(erf) = vpow2.f32 v7  }
0x9d: {  	v4 =	vmul.f32 $1.442695020e+00, v23;
	(erf) = vpow2.f32 v12;
	v24 =	vpop (erf)  }
0x9e: {  	(erf) = vpow2.f32 v13;
	v25 =	vadd.f32 $1.000000000e+00, v24  }
0x9f: {  	(erf) = vpow2.f32 v4  }
0xa0: {  	(erf) = vrcp.f32 v25;
	_ =	sdelay $0x1  }
0xa1: {  	v26 =	vpop (erf)  }
0xa2: {  	v27 =	vpop (erf)  }
0xa3: {  	v28 =	vpop (erf)  }
0xa4: {  	v29 =	vpop (erf)  }
0xa5: {  	v30 =	vpop (erf)  }
0xa6: {  	v31 =	vpop (erf)  }
0xa7: {  	v32 =	vpop (erf)  }
0xa8: {  	v10 =	vmul.f32 v27, v60;
	v33 =	vpop (erf)  }
0xa9: {  	vm6 =	vge.f32 v11, $0.0e+00;
	v7 =	vmul.f32 v33, v24  }
0xaa: {  	vm7 =	vge.f32 v50, $0.0e+00;
	v10 =	vsel vm6, v27, v10  }
0xab: {  	[tilespmem:s11+$0x110] =	vst v10;
	v7 =	vsel vm7, v33, v7  }
0xac: {  	v34 =	vld [tilespmem:s16+$0x110];
	[tilespmem:s11+$0x160] =	vst v7  }
0xad: {  	v7 =	vld [tilespmem:s16+$0x160];
	_ =	sdelay $0x2  }
0xae: {  	v35 =	vadd.f32 $1.000000000e+00, v26  }
0xaf: {  	v36 =	vadd.f32 $1.000000000e+00, v28;
	v37 =	vadd.f32 $1.000000000e+00, v29;
	v1 =	vmul.f32 v34, v0  }
0xb0: {  	(erf) = vrcp.f32 v35;
	v39 =	vadd.f32 $1.000000000e+00, v30;
	v38 =	vmul.f32 v7, v0  }
0xb1: {  	(erf) = vrcp.f32 v36;
	v40 =	vadd.f32 $1.000000000e+00, v31;
	v41 =	vand.u32 $0x7FFFFFFF, v1  }
0xb2: {  	(erf) = vrcp.f32 v37;
	v42 =	vsub.f32 $0.0e+00, v41;
	v43 =	vand.u32 $0x7FFFFFFF, v38  }
0xb3: {  	v18 =	vadd.f32 $1.000000000e+00, v32;
	(erf) = vrcp.f32 v39;
	v44 =	vsub.f32 $0.0e+00, v43  }
0xb4: {  	(erf) = vrcp.f32 v40;
	v10 =	vmul.f32 $1.442695020e+00, v42  }
0xb5: {  	(erf) = vrcp.f32 v18;
	v7 =	vmul.f32 $1.442695020e+00, v44  }
0xb6: {  	(erf) = vpow2.f32 v10  }
0xb7: {  	(erf) = vpow2.f32 v7;
	_ =	sdelay $0x1  }
0xb8: {  	v45 =	vpop (erf)  }
0xb9: {  	v46 =	vpop (erf)  }
0xba: {  	v47 =	vpop (erf)  }
0xbb: {  	v48 =	vpop (erf)  }
0xbc: {  	v49 =	vpop (erf)  }
0xbd: {  	v19 =	vpop (erf)  }
0xbe: {  	v20 =	vpop (erf)  }
0xbf: {  	v21 =	vadd.f32 $1.000000000e+00, v20;
	v22 =	vpop (erf)  }
0xc0: {  	v23 =	vadd.f32 $1.000000000e+00, v22  }
0xc1: {  	(erf) = vrcp.f32 v21  }
0xc2: {  	(erf) = vrcp.f32 v23;
	_ =	sdelay $0x2  }
0xc3: {  	v4 =	vmul.f32 v45, v26  }
0xc4: {  	vm8 =	vge.f32 v5, $0.0e+00;
	v50 =	vmul.f32 v46, v28  }
0xc5: {  	vm9 =	vge.f32 v2, $0.0e+00;
	v4 =	vsel vm8, v45, v4;
	v51 =	vmul.f32 v47, v29  }
0xc6: {  	vm10 =	vge.f32 v8, $0.0e+00;
	[tilespmem:s16+$0x170] =	vst v4;
	v52 =	vsel vm9, v46, v50;
	v53 =	vmul.f32 v48, v30  }
0xc7: {  	vm11 =	vge.f32 v63, $0.0e+00;
	[tilespmem:s16+$0x150] =	vst v52;
	v54 =	vmul.f32 v49, v31;
	v2 =	vsel vm10, v47, v51  }
0xc8: {  	vm12 =	vge.f32 v6, $0.0e+00;
	[tilespmem:s16+$0x120] =	vst v2;
	v55 =	vmul.f32 v19, v32;
	v56 =	vsel vm11, v48, v53;
	v57 =	vpop (erf)  }
0xc9: {  	vm13 =	vge.f32 v9, $0.0e+00;
	v3 =	vsel vm12, v49, v54;
	[tilespmem:s16+$0x140] =	vst v56;
	v58 =	vmul.f32 v57, v20;
	v59 =	vpop (erf)  }
0xca: {  	vm14 =	vge.f32 v1, $0.0e+00;
	[tilespmem:s16+$0x100] =	vst v3;
	v60 =	vsel vm13, v19, v55;
	v61 =	vmul.f32 v59, v22  }
0xcb: {  	vm15 =	vge.f32 v38, $0.0e+00;
	[tilespmem:s16+$0x130] =	vst v60;
	v62 =	vsel vm14, v57, v58  }
0xcc: {  	[tilespmem:s16+$0x110] =	vst v62;
	v0 =	vsel vm15, v59, v61  }
0xcd: {  	s17 =	simm.s32 $0x0;
	s18 =	simm.s32 $0x80;
	[tilespmem:s16+$0x160] =	vst v0  }
0xce: {  	[tilespmem:s18], [sflag:$0x2] =	stream.linear.gather [hbm4b:s5+s17], $0x80, $0x38;
	[tilespmem:$0x900] =	vst v63  }
0xcf: {  	_ =	swait.ge [sflag:s7], $0x80  }
0xd0: {  	[sflag:s7] =	ssyncset.done $0x0  }
0xd1: {  	[sflag:s7] =	ssyncadd.s32 $0xFFFFFF80  }
0xd2: {  	v63 =	vld [tilespmem:s18+$0x0];
	_ =	sdelay $0x4  }
0xd3: {  	v0 =	vshll.u32 v63, $0x9  }
0xd4: {  	v0 =	vshra.s32 v0, $0x2  }
0xd5: {  	v0 =	vadd.s32 $0x100, v0  }
0xd6: {  	(v2sf) =	vpush v0, $0x0;
	_ =	sdelay $0x1  }
0xd7: {  	(v2sf) =	vpush v0, $0x1;
	_ =	sdelay $0x1  }
0xd8: {  	(v2sf) =	vpush v0, $0x2;
	_ =	sdelay $0x1  }
0xd9: {  	(v2sf) =	vpush v0, $0x3;
	_ =	sdelay $0x1  }
0xda: {  	(v2sf) =	vpush v0, $0x4;
	_ =	sdelay $0x1  }
0xdb: {  	(v2sf) =	vpush v0, $0x5;
	_ =	sdelay $0x1  }
0xdc: {  	(v2sf) =	vpush v0, $0x6;
	_ =	sdelay $0x1  }
0xdd: {  	s19 =	rddreg [dreg:$0x5];
	(v2sf) =	vpush v0, $0x7  }
0xde: {  	s12 =	sadd.s32 $0x0, s19;
	s20 =	spop (v2sf)  }
0xdf: {  	(v2sf) =	vpush v0, $0x8;
	[hbm4b:s12+s4] =	stream.linear.scatter [tilespmem:s20], [sflag:$0x1], $0x80, $0x38;
	[tilespmem:$0x900] =	vst v63  }
0xe0: {  	s21 =	sadd.s32 $0x10, s12;
	s22 =	spop (v2sf);
	(v2sf) =	vpush v0, $0x9  }
0xe1: {  	[hbm4b:s21+s4] =	stream.linear.scatter [tilespmem:s22], [sflag:$0x1], $0x80, $0x38;
	[tilespmem:$0x900] =	vst v63  }
0xe2: {  	s23 =	sadd.s32 $0x20, s12;
	s24 =	spop (v2sf);
	(v2sf) =	vpush v0, $0xA  }
0xe3: {  	[hbm4b:s23+s4] =	stream.linear.scatter [tilespmem:s24], [sflag:$0x1], $0x80, $0x38;
	[tilespmem:$0x900] =	vst v63  }
0xe4: {  	s25 =	sadd.s32 $0x30, s12;
	s26 =	spop (v2sf);
	(v2sf) =	vpush v0, $0xB  }
0xe5: {  	[hbm4b:s25+s4] =	stream.linear.scatter [tilespmem:s26], [sflag:$0x1], $0x80, $0x38;
	[tilespmem:$0x900] =	vst v63  }
0xe6: {  	s28 =	sadd.s32 $0x40, s12;
	s29 =	spop (v2sf);
	(v2sf) =	vpush v0, $0xC  }
0xe7: {  	[hbm4b:s28+s4] =	stream.linear.scatter [tilespmem:s29], [sflag:$0x1], $0x80, $0x38;
	[tilespmem:$0x900] =	vst v63  }
0xe8: {  	s30 =	sadd.s32 $0x50, s12;
	s31 =	spop (v2sf);
	(v2sf) =	vpush v0, $0xD  }
0xe9: {  	[hbm4b:s30+s4] =	stream.linear.scatter [tilespmem:s31], [sflag:$0x1], $0x80, $0x38;
	[tilespmem:$0x900] =	vst v63  }
0xea: {  	s13 =	sadd.s32 $0x60, s12;
	s14 =	spop (v2sf);
	(v2sf) =	vpush v0, $0xE  }
0xeb: {  	[hbm4b:s13+s4] =	stream.linear.scatter [tilespmem:s14], [sflag:$0x1], $0x80, $0x38;
	[tilespmem:$0x900] =	vst v63  }
0xec: {  	s15 =	sadd.s32 $0x70, s12;
	s16 =	spop (v2sf);
	(v2sf) =	vpush v0, $0xF  }
0xed: {  	[hbm4b:s15+s4] =	stream.linear.scatter [tilespmem:s16], [sflag:$0x1], $0x80, $0x38;
	[tilespmem:$0x900] =	vst v63  }
0xee: {  	s18 =	spop (v2sf)  }
0xef: {  	s17 =	sadd.s32 $0x80, s12;
	s20 =	spop (v2sf)  }
0xf0: {  	[hbm4b:s17+s4] =	stream.linear.scatter [tilespmem:s18], [sflag:$0x1], $0x80, $0x38;
	[tilespmem:$0x900] =	vst v63  }
0xf1: {  	s19 =	sadd.s32 $0x90, s12;
	s22 =	spop (v2sf)  }
0xf2: {  	[hbm4b:s19+s4] =	stream.linear.scatter [tilespmem:s20], [sflag:$0x1], $0x80, $0x38;
	[tilespmem:$0x900] =	vst v63  }
0xf3: {  	s21 =	sadd.s32 $0xA0, s12;
	s24 =	spop (v2sf)  }
0xf4: {  	[hbm4b:s21+s4] =	stream.linear.scatter [tilespmem:s22], [sflag:$0x1], $0x80, $0x38;
	[tilespmem:$0x900] =	vst v63  }
0xf5: {  	s23 =	sadd.s32 $0xB0, s12;
	s26 =	spop (v2sf)  }
0xf6: {  	[hbm4b:s23+s4] =	stream.linear.scatter [tilespmem:s24], [sflag:$0x1], $0x80, $0x38;
	[tilespmem:$0x900] =	vst v63  }
0xf7: {  	s11 =	simm.s32 $0x100;
	s25 =	sadd.s32 $0xC0, s12;
	s29 =	spop (v2sf)  }
0xf8: {  	[hbm4b:s25+s4] =	stream.linear.scatter [tilespmem:s26], [sflag:$0x1], $0x80, $0x38;
	[tilespmem:$0x900] =	vst v63  }
0xf9: {  	s28 =	sadd.s32 $0xD0, s12;
	s30 =	sadd.s32 $0xE0, s12;
	s31 =	spop (v2sf)  }
0xfa: {  	[hbm4b:s28+s4] =	stream.linear.scatter [tilespmem:s29], [sflag:$0x1], $0x80, $0x38;
	[tilespmem:$0x900] =	vst v63  }
0xfb: {  	s13 =	sadd.s32 $0xF0, s12;
	s12 =	simm.s32 $0x90;
	s14 =	spop (v2sf)  }
0xfc: {  	[hbm4b:s30+s4] =	stream.linear.scatter [tilespmem:s31], [sflag:$0x1], $0x80, $0x38;
	[tilespmem:$0x900] =	vst v63  }
.LBB2_4:
0xfd: {  	[hbm4b:s13+s4] =	stream.linear.scatter [tilespmem:s14], [sflag:$0x1], $0x80, $0x38;
	[tilespmem:$0x900] =	vst v63  }
0xfe: {  	v0 =	vld [tilespmem:s12+$0x0];
	_ =	sdelay $0x4  }
0xff: {  	v0 =	vshll.u32 v0, $0x9  }
0x100: {  	v0 =	vshra.s32 v0, $0x2  }
0x101: {  	v0 =	vadd.s32 $0x100, v0  }
0x102: {  	(v2sf) =	vpush v0, $0x0;
	_ =	sdelay $0x1  }
0x103: {  	(v2sf) =	vpush v0, $0x1;
	_ =	sdelay $0x1  }
0x104: {  	(v2sf) =	vpush v0, $0x2;
	_ =	sdelay $0x1  }
0x105: {  	(v2sf) =	vpush v0, $0x3;
	_ =	sdelay $0x1  }
0x106: {  	(v2sf) =	vpush v0, $0x4;
	_ =	sdelay $0x1  }
0x107: {  	(v2sf) =	vpush v0, $0x5;
	_ =	sdelay $0x1  }
0x108: {  	(v2sf) =	vpush v0, $0x6;
	_ =	sdelay $0x1  }
0x109: {  	s17 =	smov.u32 s11;
	s18 =	rddreg [dreg:$0x5];
	(v2sf) =	vpush v0, $0x7  }
0x10a: {  	s13 =	sadd.s32 s17, s18;
	s19 =	spop (v2sf)  }
0x10b: {  	(v2sf) =	vpush v0, $0x8;
	[hbm4b:s13+s4] =	stream.linear.scatter [tilespmem:s19], [sflag:$0x1], $0x80, $0x38;
	[tilespmem:$0x900] =	vst v63  }
0x10c: {  	s20 =	sadd.s32 $0x10, s13;
	s15 =	spop (v2sf)  }
0x10d: {  	(v2sf) =	vpush v0, $0x9;
	[hbm4b:s20+s4] =	stream.linear.scatter [tilespmem:s15], [sflag:$0x1], $0x80, $0x38;
	[tilespmem:$0x900] =	vst v63  }
0x10e: {  	s21 =	sadd.s32 $0x20, s13;
	s22 =	spop (v2sf)  }
0x10f: {  	(v2sf) =	vpush v0, $0xA;
	[hbm4b:s21+s4] =	stream.linear.scatter [tilespmem:s22], [sflag:$0x1], $0x80, $0x38;
	[tilespmem:$0x900] =	vst v63  }
0x110: {  	s23 =	sadd.s32 $0x30, s13;
	s24 =	spop (v2sf)  }
0x111: {  	(v2sf) =	vpush v0, $0xB;
	[hbm4b:s23+s4] =	stream.linear.scatter [tilespmem:s24], [sflag:$0x1], $0x80, $0x38;
	[tilespmem:$0x900] =	vst v63  }
0x112: {  	s25 =	sadd.s32 $0x40, s13;
	s26 =	spop (v2sf)  }
0x113: {  	(v2sf) =	vpush v0, $0xC;
	[hbm4b:s25+s4] =	stream.linear.scatter [tilespmem:s26], [sflag:$0x1], $0x80, $0x38;
	[tilespmem:$0x900] =	vst v63  }
0x114: {  	s28 =	sadd.s32 $0x50, s13;
	s29 =	spop (v2sf)  }
0x115: {  	(v2sf) =	vpush v0, $0xD;
	[hbm4b:s28+s4] =	stream.linear.scatter [tilespmem:s29], [sflag:$0x1], $0x80, $0x38;
	[tilespmem:$0x900] =	vst v63  }
0x116: {  	s30 =	sadd.s32 $0x60, s13;
	s31 =	spop (v2sf);
	(v2sf) =	vpush v0, $0xE  }
0x117: {  	[hbm4b:s30+s4] =	stream.linear.scatter [tilespmem:s31], [sflag:$0x1], $0x80, $0x38;
	[tilespmem:$0x900] =	vst v63  }
0x118: {  	s15 =	sadd.s32 $0x70, s13;
	s16 =	spop (v2sf);
	(v2sf) =	vpush v0, $0xF  }
0x119: {  	[hbm4b:s15+s4] =	stream.linear.scatter [tilespmem:s16], [sflag:$0x1], $0x80, $0x38;
	[tilespmem:$0x900] =	vst v63  }
0x11a: {  	s17 =	sadd.s32 $0x80, s13;
	s18 =	spop (v2sf)  }
0x11b: {  	[hbm4b:s17+s4] =	stream.linear.scatter [tilespmem:s18], [sflag:$0x1], $0x80, $0x38;
	[tilespmem:$0x900] =	vst v63  }
0x11c: {  	s19 =	sadd.s32 $0x90, s13;
	s20 =	spop (v2sf)  }
0x11d: {  	[hbm4b:s19+s4] =	stream.linear.scatter [tilespmem:s20], [sflag:$0x1], $0x80, $0x38;
	[tilespmem:$0x900] =	vst v63  }
0x11e: {  	s21 =	sadd.s32 $0xA0, s13;
	s22 =	spop (v2sf)  }
0x11f: {  	[hbm4b:s21+s4] =	stream.linear.scatter [tilespmem:s22], [sflag:$0x1], $0x80, $0x38;
	[tilespmem:$0x900] =	vst v63  }
0x120: {  	s23 =	sadd.s32 $0xB0, s13;
	s24 =	spop (v2sf)  }
0x121: {  	[hbm4b:s23+s4] =	stream.linear.scatter [tilespmem:s24], [sflag:$0x1], $0x80, $0x38;
	[tilespmem:$0x900] =	vst v63  }
0x122: {  	p0 =	sne.s32 s11, $0x700;
	s25 =	sadd.s32 $0xC0, s13;
	s26 =	spop (v2sf)  }
0x123: {  	[hbm4b:s25+s4] =	stream.linear.scatter [tilespmem:s26], [sflag:$0x1], $0x80, $0x38;
	[tilespmem:$0x900] =	vst v63  }
.Ltmp1:
0x124: {  	s11 =	sadd.s32 $0x100, s11;
	s29 =	spop (v2sf);
	(pc) =	sbr.rel @p0 .LBB2_4-.Ltmp1, $4  }
0x125: {  	s12 =	sadd.s32 $0x10, s12;
	s28 =	sadd.s32 $0xD0, s13;
	s31 =	spop (v2sf)  }
0x126: {  	[hbm4b:s28+s4] =	stream.linear.scatter [tilespmem:s29], [sflag:$0x1], $0x80, $0x38;
	[tilespmem:$0x900] =	vst v63  }
0x127: {  	s30 =	sadd.s32 $0xE0, s13;
	s13 =	sadd.s32 $0xF0, s13;
	s14 =	spop (v2sf)  }
0x128: {  	[hbm4b:s30+s4] =	stream.linear.scatter [tilespmem:s31], [sflag:$0x1], $0x80, $0x38;
	[tilespmem:$0x900] =	vst v63  }
0x129: {  	[hbm4b:s13+s4] =	stream.linear.scatter [tilespmem:s14], [sflag:$0x1], $0x80, $0x38;
	[tilespmem:$0x900] =	vst v63  }
0x12a: {  	_ =	swait.ge [sflag:s9], $0x80  }
0x12b: {  	s11 =	simm.s32 $0x7F;
	[sflag:s9] =	ssyncset.done $0x0  }
.LBB2_6:
0x12c: {  	p0 =	sne.s32 s11, $0x1;
	s11 =	sadd.s32 $0xFFFFFFFF, s11;
	[sflag:s9] =	ssyncadd.s32 $0xFFFFFF80  }
.Ltmp2:
0x12d: {  	(pc) =	sbr.rel @p0 .LBB2_6-.Ltmp2, $3  }
0x12e: {  	_ =	sdelay $0x1  }
0x12f: {  	_ =	swait.ge [sflag:s9], $0x80  }
0x130: {  	[sflag:s9] =	ssyncset.done $0x0  }
0x131: {  	s10 =	sadd.s32 $0x1, s10  }
0x132: {  	p0 =	sne.s32 s10, s6  }
.Ltmp3:
0x133: {  	_ = 	snop;
	(pc) =	sbr.rel @p0 .LBB2_1-.Ltmp3, $2  }
0x134: {  	_ =	sdelay $0x2  }
0x135: {  	[sflag:s9] =	ssyncadd.s32 $0xFFFFFF80  }
0x136: {  	_ =	sfence.sel $0x180000  }
0x137: {  	[bflag:$0x0] =	sbarrier.arrive $0xFFFF  }
0x138: {  	p0 =	sne.s32 s3, $0x0;
	_ =	strace $0x90000047  }
0x139: {  	s0 =	sadd.s32 @!p0 $0x100000, s0;
	[bflag:$0x2] =	sbarrier.arrive $0xFFFF  }
0x13a: {  	[sflag:s0] =	ssyncadd.tile.s32 @!p0 $0x1;
	_ =	shalt  }
.Lfunc_end2:
_tile_overlayer_lowered:
.L_overlay_start_2:
0x13b: {  	(tag) =	ssettag $0x2  }
0x13c: {  	s0 =	rddreg [dreg:$0x0];
	s2 =	stileid.u32  }
0x13d: {  	s1 =	rddreg [dreg:$0x1];
	p0 =	sne.s32 s2, $0x0  }
0x13e: {  	s3 =	rddreg [dreg:$0x2];
	[bflag:$0x3] =	sbarrier.arrive $0xFFFF;
	s2 =	simm.s32 @!p0 $0x1C02  }
0x13f: {  	[timem:s3], [sflag:s2] =	dma.local @!p0 [hbm:s0], s1  }
0x140: {  	s0 =	simm.s32 @!p0 $0x2  }
0x141: {  	_ =	swait.ge @!p0 [sflag:s0], s1  }
0x142: {  	s1 =	ssub.s32 @!p0 $0x0, s1;
	[sflag:s0] =	ssyncset.done @!p0 $0x0  }
0x143: {  	[sflag:s0] =	ssyncadd.s32 @!p0 s1  }
0x144: {  	[bflag:$0x3] =	sbarrier.arrive $0xFFFF  }
0x145: {  	_ =	shalt  }

</sc_bundles>
